<compile_context>
chip_gen: v7x
topology: tpu7x:2x2x1
jax: 0.10.2.dev20260603
libtpu: 0.0.44.dev20260713+nightly
codegen_flags: <defaults>
</compile_context>

<pallas_src>
import functools

import jax
import jax.numpy as jnp
from jax import lax
from jax.experimental import pallas as pl
from jax.experimental.pallas import tpu as pltpu
from jax.experimental.pallas import tpu_sc as plsc

H = 64
W = 64
D = 64
L = 2 * D
V = H * W * D
PK = W * L
NSEG_PAD = 262400
T = 2 * NSEG_PAD
STRIPE = T // 16
ZB = STRIPE // 2
NIDS = 2 * 2 * V
NENT = 2 * NIDS
IPT = NIDS // 32
CHUNK = 8192
NCHUNK = IPT // CHUNK


def _prop_kernel(y_ref, yp_ref, ids_ref, vals_ref):
    yk = y_ref[0]
    ypair = jnp.concatenate([yk, yk], axis=-1)
    li = lax.broadcasted_iota(jnp.int32, (H, W, L), 2)
    cvec = 1 + (li >= D).astype(jnp.int32)
    mask = ypair == cvec
    hi = lax.broadcasted_iota(jnp.int32, (H, W, L), 0)
    wi = lax.broadcasted_iota(jnp.int32, (H, W, L), 1)
    di = li % D
    lin = hi * (W * D) + wi * D + di + 1
    zero = jnp.zeros((H, W, L), jnp.int32)
    not_d0 = di != 0
    not_d63 = di != (D - 1)

    def mneigh(x):
        zh = jnp.zeros((1, W, L), x.dtype)
        m = jnp.maximum(x, jnp.concatenate([zh, x[:-1]], axis=0))
        m = jnp.maximum(m, jnp.concatenate([x[1:], zh], axis=0))
        zw = jnp.zeros((H, 1, L), x.dtype)
        m = jnp.maximum(m, jnp.concatenate([zw, x[:, :-1]], axis=1))
        m = jnp.maximum(m, jnp.concatenate([x[:, 1:], zw], axis=1))
        m = jnp.maximum(m, jnp.where(not_d0, pltpu.roll(x, 1, 2), zero))
        m = jnp.maximum(m, jnp.where(not_d63, pltpu.roll(x, L - 1, 2), zero))
        return m

    def run(step, x0):
        def cond(st):
            return (st[0] < 8) & st[2]

        def body(st):
            i, x, _ = st
            nx = step(x)
            return (i + 1, nx, jnp.any(nx != x))

        return lax.while_loop(cond, body, (0, x0, True))[1]

    labels = jnp.where(mask, lin, 0)
    labels = run(lambda l: jnp.where(mask, mneigh(l), l), labels)
    vor = run(lambda v: jnp.where(v > 0, v, mneigh(v)), labels)

    ypp = jnp.concatenate([yp_ref[0, 0], yp_ref[0, 1]], axis=-1)
    p = jnp.maximum(jax.nn.sigmoid(ypp), 1e-20)
    g = mask.astype(jnp.float32)
    ids_ref[0] = vor + (cvec - 1) * NSEG_PAD
    vals_ref[0, 0] = p * g
    vals_ref[0, 1] = p + g


_prop_call = pl.pallas_call(
    _prop_kernel,
    grid=(2,),
    in_specs=[
        pl.BlockSpec((1, H, W, D), lambda b: (b, 0, 0, 0)),
        pl.BlockSpec((1, 2, H, W, D), lambda b: (b, 0, 0, 0, 0)),
    ],
    out_specs=[
        pl.BlockSpec((1, H, W, L), lambda b: (b, 0, 0, 0)),
        pl.BlockSpec((1, 2, H, W, L), lambda b: (b, 0, 0, 0, 0)),
    ],
    out_shape=[
        jax.ShapeDtypeStruct((2, H, W, L), jnp.int32),
        jax.ShapeDtypeStruct((2, 2, H, W, L), jnp.float32),
    ],
)


def _sc_scatter_body(ids_hbm, vals_hbm, out_hbm,
                     idsb0, idsb1, idsb2, idsb3, valsv0, valsv1,
                     zbuf, obuf, table,
                     isem0, isem1, isem2, isem3, vsem0, vsem1):
    cid = lax.axis_index("c")
    sid = lax.axis_index("s")
    idsbufs = (idsb0, idsb1, idsb2, idsb3)
    vbufs = ((valsv0, vsem0), (valsv1, vsem1))

    ids_base = cid * (NIDS // 2) + sid * IPT
    ih = []
    for k, (ib, isem) in enumerate(zip(idsbufs, (isem0, isem1, isem2, isem3))):
        h = pltpu.make_async_copy(
            ids_hbm.at[pl.ds(ids_base + k * CHUNK, CHUNK)], ib, isem)
        h.start()
        ih.append(h)

    def vals_off(phase, k):
        return (cid * (NENT // 2) + phase * (NIDS // 2) + sid * IPT + k * CHUNK)

    def start_vload(e0, vb):
        valsb, s = vb
        h = pltpu.make_async_copy(vals_hbm.at[pl.ds(e0, CHUNK)], valsb, s)
        h.start()
        return h

    vpend = start_vload(vals_off(0, 0), vbufs[0])

    def zfill(i, carry):
        zbuf[pl.ds(i * 16, 16)] = jnp.zeros((16,), jnp.float32)
        return carry

    lax.fori_loop(0, ZB // 16, zfill, 0)
    for k in range(2):
        pltpu.sync_copy(zbuf, table.at[pl.ds(sid * STRIPE + k * ZB, ZB)])
    plsc.subcore_barrier()

    for phase in range(2):
        for k in range(NCHUNK):
            valsb, _ = vbufs[k % 2]
            vpend.wait()
            if k + 1 < NCHUNK:
                vpend = start_vload(vals_off(phase, k + 1), vbufs[(k + 1) % 2])
            elif phase == 0:
                vpend = start_vload(vals_off(1, 0), vbufs[0])
            if phase == 0:
                ih[k].wait()
            pltpu.sync_copy(valsb, table.at[idsbufs[k]], add=True)
        plsc.subcore_barrier()
        for k in range(2):
            off = sid * STRIPE + k * ZB
            pltpu.sync_copy(table.at[pl.ds(off, ZB)], obuf)
            pltpu.sync_copy(
                obuf, out_hbm.at[pl.ds(phase * (2 * T) + cid * T + off, ZB)])
        if phase == 0:
            for k in range(2):
                pltpu.sync_copy(
                    zbuf, table.at[pl.ds(sid * STRIPE + k * ZB, ZB)])
            plsc.subcore_barrier()


@functools.cache
def _sc_scatter():
    return pl.kernel(
        _sc_scatter_body,
        mesh=plsc.VectorSubcoreMesh(core_axis_name="c", subcore_axis_name="s"),
        out_type=jax.ShapeDtypeStruct((4 * T,), jnp.float32),
        scratch_types=[
            pltpu.VMEM((CHUNK,), jnp.int32),
            pltpu.VMEM((CHUNK,), jnp.int32),
            pltpu.VMEM((CHUNK,), jnp.int32),
            pltpu.VMEM((CHUNK,), jnp.int32),
            pltpu.VMEM((CHUNK,), jnp.float32),
            pltpu.VMEM((CHUNK,), jnp.float32),
            pltpu.VMEM((ZB,), jnp.float32),
            pltpu.VMEM((ZB,), jnp.float32),
            pltpu.VMEM_SHARED((T,), jnp.float32),
            pltpu.SemaphoreType.DMA,
            pltpu.SemaphoreType.DMA,
            pltpu.SemaphoreType.DMA,
            pltpu.SemaphoreType.DMA,
            pltpu.SemaphoreType.DMA,
            pltpu.SemaphoreType.DMA,
        ],
    )


def _reduce_kernel(tab_ref, out_ref):
    eps = jnp.float32(1e-5)
    inter = tab_ref[0:4, :]
    denom = tab_ref[4:8, :]
    valid = (denom > 0).astype(jnp.float32)
    dice = (2.0 * inter + eps) / (denom + eps)
    num = jnp.sum(dice * valid, axis=1, keepdims=True)
    nval = jnp.sum(valid, axis=1, keepdims=True)
    per_bc = num / jnp.maximum(nval, 1.0)
    out_ref[:, :] = jnp.broadcast_to(1.0 - jnp.sum(per_bc) * 0.25, (1, 1))


_reduce_call = pl.pallas_call(
    _reduce_kernel,
    out_shape=jax.ShapeDtypeStruct((1, 1), jnp.float32),
)


def kernel(y_pred, y):
    y2 = y[:, 0]
    yp2 = y_pred[:, 1:]
    ids, vals = _prop_call(y2, yp2)
    tab = _sc_scatter()(ids.reshape(NIDS), vals.reshape(NENT))
    out = _reduce_call(tab.reshape(8, NSEG_PAD))
    return out[0, 0]

# --- scband reference (transcript-rebuilt; emitter-appended) ---
"""Pipeline reference for scband-ccbase-33389075759135 (READ-ONLY COPY).

The authoritative reference and input builder live on the scoring server;
editing this copy changes nothing except your own understanding.
"""

import jax, jax.numpy as jnp
import numpy as np

B, C, H, W, D = 2, 3, 64, 64, 64


def _shift(x, shift, axis):
    n = x.shape[axis]
    idx = [slice(None)] * x.ndim
    pad = [(0, 0)] * x.ndim
    if shift > 0:
        idx[axis] = slice(0, n - shift)
        pad[axis] = (shift, 0)
    else:
        idx[axis] = slice(-shift, n)
        pad[axis] = (0, -shift)
    return jnp.pad(x[tuple(idx)], pad)


def _max_neighbor(x):
    m = x
    for axis in (2, 3, 4):
        m = jnp.maximum(m, _shift(x, 1, axis))
        m = jnp.maximum(m, _shift(x, -1, axis))
    return m


def get_voronoi(y_oh):
    # y_oh: [B, C', H, W, D] one-hot float. Connected-component seeds via
    # iterative max-label propagation inside the mask, then Voronoi expansion
    # of component labels into the background by repeated dilation.
    mask = y_oh > 0.5
    Hh, Ww, Dd = y_oh.shape[-3:]
    lin = jnp.arange(1, Hh * Ww * Dd + 1, dtype=jnp.int32).reshape(Hh, Ww, Dd)
    labels = jnp.where(mask, lin, jnp.int32(0))

    def cc_body(i, l):
        return jnp.where(mask, _max_neighbor(l), l)

    labels = jax.lax.fori_loop(0, 8, cc_body, labels)

    def vor_body(i, v):
        return jnp.where(v > 0, v, _max_neighbor(v))

    vor = jax.lax.fori_loop(0, 8, vor_body, labels)
    return vor


def setup_inputs(seed: int = 0) -> dict:
    key = jax.random.key(seed)
    k1, k2 = jax.random.split(key)
    y_pred = jax.random.normal(k1, (B, C, H, W, D), dtype=jnp.float32)
    y = jax.random.randint(k2, (B, 1, H, W, D), 0, C).astype(jnp.int32)
    return {"y_pred": y_pred, "y": y}


def reference(y_pred, y):
    num_classes = y_pred.shape[1]
    y_idx = y[:, 0]
    y_oh = jax.nn.one_hot(y_idx, num_classes, dtype=jnp.float32)  # [B,H,W,D,C]
    y_oh = jnp.moveaxis(y_oh, -1, 1)  # [B,C,H,W,D]
    # skip_first: drop background channel
    yp = y_pred[:, 1:]
    yg = y_oh[:, 1:]
    vor = get_voronoi(yg)  # int32 [B,C-1,H,W,D], region id per voxel
    p = jax.nn.sigmoid(yp)  # activation
    Bb, Cc, Hh, Ww, Dd = p.shape
    V = Hh * Ww * Dd
    nseg_per = V + 1
    offsets = (jnp.arange(Bb * Cc, dtype=jnp.int32) * nseg_per).reshape(Bb, Cc, 1, 1, 1)
    ids = (vor + offsets).reshape(-1)
    pf = p.reshape(-1)
    gf = yg.reshape(-1)
    nseg = Bb * Cc * nseg_per
    inter = jax.ops.segment_sum(pf * gf, ids, num_segments=nseg)
    psum = jax.ops.segment_sum(pf, ids, num_segments=nseg)
    gsum = jax.ops.segment_sum(gf, ids, num_segments=nseg)
    cnt = jax.ops.segment_sum(jnp.ones_like(pf), ids, num_segments=nseg)
    eps = 1e-5
    dice = (2.0 * inter + eps) / (psum + gsum + eps)
    valid = (cnt > 0).astype(jnp.float32)
    dice = dice.reshape(Bb, Cc, nseg_per)
    valid = valid.reshape(Bb, Cc, nseg_per)
    per_bc = jnp.sum(dice * valid, axis=-1) / jnp.maximum(jnp.sum(valid, axis=-1), 1.0)
    # channel_reduction_fn=mean, then mean over batch -> scalar loss
    loss = 1.0 - jnp.mean(per_bc)
    return loss

if __name__ == "__main__":
    import jax
    _d = setup_inputs()
    print(jax.jit(kernel)(*tuple(_d.values())))

</pallas_src>

<mosaic_0001>
#map = affine_map<(d0, d1) -> (0)>
module attributes {stable_mosaic.version = 14 : i64} {
  func.func @_sc_scatter_body(%arg0: i32, %arg1: i32, %arg2: memref<1048576xi32, #tpu.memory_space<hbm>>, %arg3: memref<2097152xf32, #tpu.memory_space<hbm>>, %arg4: memref<2099200xf32, #tpu.memory_space<hbm>>, %arg5: memref<8192xi32, #tpu.memory_space<vmem>>, %arg6: memref<8192xi32, #tpu.memory_space<vmem>>, %arg7: memref<8192xi32, #tpu.memory_space<vmem>>, %arg8: memref<8192xi32, #tpu.memory_space<vmem>>, %arg9: memref<8192xf32, #tpu.memory_space<vmem>>, %arg10: memref<8192xf32, #tpu.memory_space<vmem>>, %arg11: memref<16400xf32, #tpu.memory_space<vmem>>, %arg12: memref<16400xf32, #tpu.memory_space<vmem>>, %arg13: memref<524800xf32, #tpu.memory_space<vmem_shared>>, %arg14: memref<!tpu.dma_semaphore, #tpu.memory_space<semaphore_mem>>, %arg15: memref<!tpu.dma_semaphore, #tpu.memory_space<semaphore_mem>>, %arg16: memref<!tpu.dma_semaphore, #tpu.memory_space<semaphore_mem>>, %arg17: memref<!tpu.dma_semaphore, #tpu.memory_space<semaphore_mem>>, %arg18: memref<!tpu.dma_semaphore, #tpu.memory_space<semaphore_mem>>, %arg19: memref<!tpu.dma_semaphore, #tpu.memory_space<semaphore_mem>>) attributes {dimension_semantics = [#tpu.dimension_semantics<core_parallel>, #tpu.dimension_semantics<subcore_parallel>], iteration_bounds = array<i64: 2, 16>, scalar_prefetch = 0 : i64, scratch_operands = 15 : i64, tpu.core_type = #tpu.core_type<sc_vector_subcore>, window_params = [{transform_indices = #map}, {transform_indices = #map}, {transform_indices = #map}]} {
    %mul3A = arith.constant 524288 : i32
    %mul3A_0 = arith.muli %arg0, %mul3A : i32
    %mul3A_1 = arith.constant 32768 : i32
    %mul3A_2 = arith.muli %arg1, %mul3A_1 : i32
    %add3A = arith.addi %mul3A_0, %mul3A_2 : i32
    %add3A_3 = arith.constant 0 : i32
    %add3A_4 = arith.addi %add3A, %add3A_3 : i32
    %dma_start3A = tpu.memref_slice %arg2[%add3A_4] : memref<1048576xi32, #tpu.memory_space<hbm>> -> memref<8192xi32, #tpu.memory_space<hbm>>
    %dma_start3A_5 = tpu.memref_slice %arg2[%add3A_4] : memref<1048576xi32, #tpu.memory_space<hbm>> -> memref<8192xi32, #tpu.memory_space<hbm>>
    tpu.enqueue_dma source(%dma_start3A_5 : memref<8192xi32, #tpu.memory_space<hbm>>) target(%arg5 : memref<8192xi32, #tpu.memory_space<vmem>>) target_semaphore(%arg14 : memref<!tpu.dma_semaphore, #tpu.memory_space<semaphore_mem>>)
    %add3A_6 = arith.constant 8192 : i32
    %add3A_7 = arith.addi %add3A, %add3A_6 : i32
    %dma_start3A_8 = tpu.memref_slice %arg2[%add3A_7] : memref<1048576xi32, #tpu.memory_space<hbm>> -> memref<8192xi32, #tpu.memory_space<hbm>>
    %dma_start3A_9 = tpu.memref_slice %arg2[%add3A_7] : memref<1048576xi32, #tpu.memory_space<hbm>> -> memref<8192xi32, #tpu.memory_space<hbm>>
    tpu.enqueue_dma source(%dma_start3A_9 : memref<8192xi32, #tpu.memory_space<hbm>>) target(%arg6 : memref<8192xi32, #tpu.memory_space<vmem>>) target_semaphore(%arg15 : memref<!tpu.dma_semaphore, #tpu.memory_space<semaphore_mem>>)
    %add3A_10 = arith.constant 16384 : i32
    %add3A_11 = arith.addi %add3A, %add3A_10 : i32
    %dma_start3A_12 = tpu.memref_slice %arg2[%add3A_11] : memref<1048576xi32, #tpu.memory_space<hbm>> -> memref<8192xi32, #tpu.memory_space<hbm>>
    %dma_start3A_13 = tpu.memref_slice %arg2[%add3A_11] : memref<1048576xi32, #tpu.memory_space<hbm>> -> memref<8192xi32, #tpu.memory_space<hbm>>
    tpu.enqueue_dma source(%dma_start3A_13 : memref<8192xi32, #tpu.memory_space<hbm>>) target(%arg7 : memref<8192xi32, #tpu.memory_space<vmem>>) target_semaphore(%arg16 : memref<!tpu.dma_semaphore, #tpu.memory_space<semaphore_mem>>)
    %add3A_14 = arith.constant 24576 : i32
    %add3A_15 = arith.addi %add3A, %add3A_14 : i32
    %dma_start3A_16 = tpu.memref_slice %arg2[%add3A_15] : memref<1048576xi32, #tpu.memory_space<hbm>> -> memref<8192xi32, #tpu.memory_space<hbm>>
    %dma_start3A_17 = tpu.memref_slice %arg2[%add3A_15] : memref<1048576xi32, #tpu.memory_space<hbm>> -> memref<8192xi32, #tpu.memory_space<hbm>>
    tpu.enqueue_dma source(%dma_start3A_17 : memref<8192xi32, #tpu.memory_space<hbm>>) target(%arg8 : memref<8192xi32, #tpu.memory_space<vmem>>) target_semaphore(%arg17 : memref<!tpu.dma_semaphore, #tpu.memory_space<semaphore_mem>>)
    %mul3A_18 = arith.constant 1048576 : i32
    %mul3A_19 = arith.muli %arg0, %mul3A_18 : i32
    %add3A_20 = arith.constant 0 : i32
    %add3A_21 = arith.addi %mul3A_19, %add3A_20 : i32
    %mul3A_22 = arith.constant 32768 : i32
    %mul3A_23 = arith.muli %arg1, %mul3A_22 : i32
    %add3A_24 = arith.addi %add3A_21, %mul3A_23 : i32
    %add3A_25 = arith.constant 0 : i32
    %add3A_26 = arith.addi %add3A_24, %add3A_25 : i32
    %dma_start3A_27 = tpu.memref_slice %arg3[%add3A_26] : memref<2097152xf32, #tpu.memory_space<hbm>> -> memref<8192xf32, #tpu.memory_space<hbm>>
    %dma_start3A_28 = tpu.memref_slice %arg3[%add3A_26] : memref<2097152xf32, #tpu.memory_space<hbm>> -> memref<8192xf32, #tpu.memory_space<hbm>>
    tpu.enqueue_dma source(%dma_start3A_28 : memref<8192xf32, #tpu.memory_space<hbm>>) target(%arg9 : memref<8192xf32, #tpu.memory_space<vmem>>) target_semaphore(%arg18 : memref<!tpu.dma_semaphore, #tpu.memory_space<semaphore_mem>>)
    %scan3A = arith.constant 0 : i32
    %scan3A_29 = arith.constant 0 : i32
    %scan3A_30 = arith.constant 1025 : i32
    %scan3A_31 = arith.addi %scan3A_29, %scan3A_30 : i32
    %scan3A_32 = arith.constant 1 : i32
    scf.for %scan3A_189 = %scan3A_29 to %scan3A_31 step %scan3A_32  : i32 {
      %broadcast_in_dim3A = arith.constant 0.000000e+00 : f32
      %broadcast_in_dim3A_190 = vector.broadcast %broadcast_in_dim3A : f32 to vector<16xf32>
      %mul3A_191 = arith.constant 16 : i32
      %mul3A_192 = arith.muli %scan3A_189, %mul3A_191 : i32
      %swap3A = arith.index_cast %mul3A_192 : i32 to index
      %swap3A_193 = tpu.vector_load %arg11[%swap3A] {strides = array<i32>} : memref<16400xf32, #tpu.memory_space<vmem>>, vector<16xf32>,
      %swap3A_194 = vector.shape_cast %swap3A_193 : vector<16xf32> to vector<16xf32>
      %swap3A_195 = vector.shape_cast %broadcast_in_dim3A_190 : vector<16xf32> to vector<16xf32>
      tpu.vector_store %arg11[%swap3A], %swap3A_195 {strides = array<i32>} : memref<16400xf32, #tpu.memory_space<vmem>>, vector<16xf32>,
    }
    %scan3A_33 = arith.constant 1025 : i32
    %mul3A_34 = arith.constant 32800 : i32
    %mul3A_35 = arith.muli %arg1, %mul3A_34 : i32
    %add3A_36 = arith.constant 0 : i32
    %add3A_37 = arith.addi %mul3A_35, %add3A_36 : i32
    "tpu.region"() ({
      %run_scoped3A = tpu.sem_alloc : memref<!tpu.dma_semaphore, #tpu.memory_space<semaphore_mem>>
      %dma_start3A_189 = tpu.memref_slice %arg13[%add3A_37] : memref<524800xf32, #tpu.memory_space<vmem_shared>> -> memref<16400xf32, #tpu.memory_space<vmem_shared>>
      %dma_start3A_190 = tpu.memref_slice %arg13[%add3A_37] : memref<524800xf32, #tpu.memory_space<vmem_shared>> -> memref<16400xf32, #tpu.memory_space<vmem_shared>>
      tpu.enqueue_dma source(%arg11 : memref<16400xf32, #tpu.memory_space<vmem>>) target(%dma_start3A_190 : memref<16400xf32, #tpu.memory_space<vmem_shared>>) target_semaphore(%run_scoped3A : memref<!tpu.dma_semaphore, #tpu.memory_space<semaphore_mem>>)
      %dma_wait3A_191 = tpu.memref_slice %arg13[%add3A_37] : memref<524800xf32, #tpu.memory_space<vmem_shared>> -> memref<16400xf32, #tpu.memory_space<vmem_shared>>
      %dma_wait3A_192 = tpu.memref_slice %arg13[%add3A_37] : memref<524800xf32, #tpu.memory_space<vmem_shared>> -> memref<16400xf32, #tpu.memory_space<vmem_shared>>
      tpu.wait_dma2 semaphore(%run_scoped3A : memref<!tpu.dma_semaphore, #tpu.memory_space<semaphore_mem>>) src(%arg11 : memref<16400xf32, #tpu.memory_space<vmem>>) dst(%dma_wait3A_192 : memref<16400xf32, #tpu.memory_space<vmem_shared>>)
      tpu.yield
    }) : () -> ()
    %mul3A_38 = arith.constant 32800 : i32
    %mul3A_39 = arith.muli %arg1, %mul3A_38 : i32
    %add3A_40 = arith.constant 16400 : i32
    %add3A_41 = arith.addi %mul3A_39, %add3A_40 : i32
    "tpu.region"() ({
      %run_scoped3A = tpu.sem_alloc : memref<!tpu.dma_semaphore, #tpu.memory_space<semaphore_mem>>
      %dma_start3A_189 = tpu.memref_slice %arg13[%add3A_41] : memref<524800xf32, #tpu.memory_space<vmem_shared>> -> memref<16400xf32, #tpu.memory_space<vmem_shared>>
      %dma_start3A_190 = tpu.memref_slice %arg13[%add3A_41] : memref<524800xf32, #tpu.memory_space<vmem_shared>> -> memref<16400xf32, #tpu.memory_space<vmem_shared>>
      tpu.enqueue_dma source(%arg11 : memref<16400xf32, #tpu.memory_space<vmem>>) target(%dma_start3A_190 : memref<16400xf32, #tpu.memory_space<vmem_shared>>) target_semaphore(%run_scoped3A : memref<!tpu.dma_semaphore, #tpu.memory_space<semaphore_mem>>)
      %dma_wait3A_191 = tpu.memref_slice %arg13[%add3A_41] : memref<524800xf32, #tpu.memory_space<vmem_shared>> -> memref<16400xf32, #tpu.memory_space<vmem_shared>>
      %dma_wait3A_192 = tpu.memref_slice %arg13[%add3A_41] : memref<524800xf32, #tpu.memory_space<vmem_shared>> -> memref<16400xf32, #tpu.memory_space<vmem_shared>>
      tpu.wait_dma2 semaphore(%run_scoped3A : memref<!tpu.dma_semaphore, #tpu.memory_space<semaphore_mem>>) src(%arg11 : memref<16400xf32, #tpu.memory_space<vmem>>) dst(%dma_wait3A_192 : memref<16400xf32, #tpu.memory_space<vmem_shared>>)
      tpu.yield
    }) : () -> ()
    %barrier3A = arith.constant 0 : index
    tpu.barrier barrier_id(%barrier3A)
    %dma_wait3A = tpu.memref_slice %arg3[%add3A_26] : memref<2097152xf32, #tpu.memory_space<hbm>> -> memref<8192xf32, #tpu.memory_space<hbm>>
    %dma_wait3A_42 = tpu.memref_slice %arg3[%add3A_26] : memref<2097152xf32, #tpu.memory_space<hbm>> -> memref<8192xf32, #tpu.memory_space<hbm>>
    tpu.wait_dma2 semaphore(%arg18 : memref<!tpu.dma_semaphore, #tpu.memory_space<semaphore_mem>>) src(%dma_wait3A_42 : memref<8192xf32, #tpu.memory_space<hbm>>) dst(%arg9 : memref<8192xf32, #tpu.memory_space<vmem>>)
    %mul3A_43 = arith.constant 1048576 : i32
    %mul3A_44 = arith.muli %arg0, %mul3A_43 : i32
    %add3A_45 = arith.constant 0 : i32
    %add3A_46 = arith.addi %mul3A_44, %add3A_45 : i32
    %mul3A_47 = arith.constant 32768 : i32
    %mul3A_48 = arith.muli %arg1, %mul3A_47 : i32
    %add3A_49 = arith.addi %add3A_46, %mul3A_48 : i32
    %add3A_50 = arith.constant 8192 : i32
    %add3A_51 = arith.addi %add3A_49, %add3A_50 : i32
    %dma_start3A_52 = tpu.memref_slice %arg3[%add3A_51] : memref<2097152xf32, #tpu.memory_space<hbm>> -> memref<8192xf32, #tpu.memory_space<hbm>>
    %dma_start3A_53 = tpu.memref_slice %arg3[%add3A_51] : memref<2097152xf32, #tpu.memory_space<hbm>> -> memref<8192xf32, #tpu.memory_space<hbm>>
    tpu.enqueue_dma source(%dma_start3A_53 : memref<8192xf32, #tpu.memory_space<hbm>>) target(%arg10 : memref<8192xf32, #tpu.memory_space<vmem>>) target_semaphore(%arg19 : memref<!tpu.dma_semaphore, #tpu.memory_space<semaphore_mem>>)
    %dma_wait3A_54 = tpu.memref_slice %arg2[%add3A_4] : memref<1048576xi32, #tpu.memory_space<hbm>> -> memref<8192xi32, #tpu.memory_space<hbm>>
    %dma_wait3A_55 = tpu.memref_slice %arg2[%add3A_4] : memref<1048576xi32, #tpu.memory_space<hbm>> -> memref<8192xi32, #tpu.memory_space<hbm>>
    tpu.wait_dma2 semaphore(%arg14 : memref<!tpu.dma_semaphore, #tpu.memory_space<semaphore_mem>>) src(%dma_wait3A_55 : memref<8192xi32, #tpu.memory_space<hbm>>) dst(%arg5 : memref<8192xi32, #tpu.memory_space<vmem>>)
    "tpu.region"() ({
      %run_scoped3A = tpu.sem_alloc : memref<!tpu.dma_semaphore, #tpu.memory_space<semaphore_mem>>
      %dma_start3A_189 = arith.constant 0 : i32
      %dma_start3A_190 = tpu.memref_slice %arg13[%dma_start3A_189] : memref<524800xf32, #tpu.memory_space<vmem_shared>> -> memref<524800xf32, #tpu.memory_space<vmem_shared>>
      tpu.enqueue_indirect_dma source(%arg9 : memref<8192xf32, #tpu.memory_space<vmem>>) target(%dma_start3A_190 : memref<524800xf32, #tpu.memory_space<vmem_shared>>) offsets(%arg5 : memref<8192xi32, #tpu.memory_space<vmem>>) semaphore(%run_scoped3A : memref<!tpu.dma_semaphore, #tpu.memory_space<semaphore_mem>>) {add = true}
      %dma_wait3A_191 = arith.constant 0 : i32
      %dma_wait3A_192 = tpu.memref_slice %arg13[%dma_wait3A_191] : memref<524800xf32, #tpu.memory_space<vmem_shared>> -> memref<524800xf32, #tpu.memory_space<vmem_shared>>
      tpu.wait_indirect_dma semaphore(%run_scoped3A : memref<!tpu.dma_semaphore, #tpu.memory_space<semaphore_mem>>) src(%arg9 : memref<8192xf32, #tpu.memory_space<vmem>>) dst(%dma_wait3A_192 : memref<524800xf32, #tpu.memory_space<vmem_shared>>)
      tpu.yield
    }) : () -> ()
    %dma_wait3A_56 = tpu.memref_slice %arg3[%add3A_51] : memref<2097152xf32, #tpu.memory_space<hbm>> -> memref<8192xf32, #tpu.memory_space<hbm>>
    %dma_wait3A_57 = tpu.memref_slice %arg3[%add3A_51] : memref<2097152xf32, #tpu.memory_space<hbm>> -> memref<8192xf32, #tpu.memory_space<hbm>>
    tpu.wait_dma2 semaphore(%arg19 : memref<!tpu.dma_semaphore, #tpu.memory_space<semaphore_mem>>) src(%dma_wait3A_57 : memref<8192xf32, #tpu.memory_space<hbm>>) dst(%arg10 : memref<8192xf32, #tpu.memory_space<vmem>>)
    %mul3A_58 = arith.constant 1048576 : i32
    %mul3A_59 = arith.muli %arg0, %mul3A_58 : i32
    %add3A_60 = arith.constant 0 : i32
    %add3A_61 = arith.addi %mul3A_59, %add3A_60 : i32
    %mul3A_62 = arith.constant 32768 : i32
    %mul3A_63 = arith.muli %arg1, %mul3A_62 : i32
    %add3A_64 = arith.addi %add3A_61, %mul3A_63 : i32
    %add3A_65 = arith.constant 16384 : i32
    %add3A_66 = arith.addi %add3A_64, %add3A_65 : i32
    %dma_start3A_67 = tpu.memref_slice %arg3[%add3A_66] : memref<2097152xf32, #tpu.memory_space<hbm>> -> memref<8192xf32, #tpu.memory_space<hbm>>
    %dma_start3A_68 = tpu.memref_slice %arg3[%add3A_66] : memref<2097152xf32, #tpu.memory_space<hbm>> -> memref<8192xf32, #tpu.memory_space<hbm>>
    tpu.enqueue_dma source(%dma_start3A_68 : memref<8192xf32, #tpu.memory_space<hbm>>) target(%arg9 : memref<8192xf32, #tpu.memory_space<vmem>>) target_semaphore(%arg18 : memref<!tpu.dma_semaphore, #tpu.memory_space<semaphore_mem>>)
    %dma_wait3A_69 = tpu.memref_slice %arg2[%add3A_7] : memref<1048576xi32, #tpu.memory_space<hbm>> -> memref<8192xi32, #tpu.memory_space<hbm>>
    %dma_wait3A_70 = tpu.memref_slice %arg2[%add3A_7] : memref<1048576xi32, #tpu.memory_space<hbm>> -> memref<8192xi32, #tpu.memory_space<hbm>>
    tpu.wait_dma2 semaphore(%arg15 : memref<!tpu.dma_semaphore, #tpu.memory_space<semaphore_mem>>) src(%dma_wait3A_70 : memref<8192xi32, #tpu.memory_space<hbm>>) dst(%arg6 : memref<8192xi32, #tpu.memory_space<vmem>>)
    "tpu.region"() ({
      %run_scoped3A = tpu.sem_alloc : memref<!tpu.dma_semaphore, #tpu.memory_space<semaphore_mem>>
      %dma_start3A_189 = arith.constant 0 : i32
      %dma_start3A_190 = tpu.memref_slice %arg13[%dma_start3A_189] : memref<524800xf32, #tpu.memory_space<vmem_shared>> -> memref<524800xf32, #tpu.memory_space<vmem_shared>>
      tpu.enqueue_indirect_dma source(%arg10 : memref<8192xf32, #tpu.memory_space<vmem>>) target(%dma_start3A_190 : memref<524800xf32, #tpu.memory_space<vmem_shared>>) offsets(%arg6 : memref<8192xi32, #tpu.memory_space<vmem>>) semaphore(%run_scoped3A : memref<!tpu.dma_semaphore, #tpu.memory_space<semaphore_mem>>) {add = true}
      %dma_wait3A_191 = arith.constant 0 : i32
      %dma_wait3A_192 = tpu.memref_slice %arg13[%dma_wait3A_191] : memref<524800xf32, #tpu.memory_space<vmem_shared>> -> memref<524800xf32, #tpu.memory_space<vmem_shared>>
      tpu.wait_indirect_dma semaphore(%run_scoped3A : memref<!tpu.dma_semaphore, #tpu.memory_space<semaphore_mem>>) src(%arg10 : memref<8192xf32, #tpu.memory_space<vmem>>) dst(%dma_wait3A_192 : memref<524800xf32, #tpu.memory_space<vmem_shared>>)
      tpu.yield
    }) : () -> ()
    %dma_wait3A_71 = tpu.memref_slice %arg3[%add3A_66] : memref<2097152xf32, #tpu.memory_space<hbm>> -> memref<8192xf32, #tpu.memory_space<hbm>>
    %dma_wait3A_72 = tpu.memref_slice %arg3[%add3A_66] : memref<2097152xf32, #tpu.memory_space<hbm>> -> memref<8192xf32, #tpu.memory_space<hbm>>
    tpu.wait_dma2 semaphore(%arg18 : memref<!tpu.dma_semaphore, #tpu.memory_space<semaphore_mem>>) src(%dma_wait3A_72 : memref<8192xf32, #tpu.memory_space<hbm>>) dst(%arg9 : memref<8192xf32, #tpu.memory_space<vmem>>)
    %mul3A_73 = arith.constant 1048576 : i32
    %mul3A_74 = arith.muli %arg0, %mul3A_73 : i32
    %add3A_75 = arith.constant 0 : i32
    %add3A_76 = arith.addi %mul3A_74, %add3A_75 : i32
    %mul3A_77 = arith.constant 32768 : i32
    %mul3A_78 = arith.muli %arg1, %mul3A_77 : i32
    %add3A_79 = arith.addi %add3A_76, %mul3A_78 : i32
    %add3A_80 = arith.constant 24576 : i32
    %add3A_81 = arith.addi %add3A_79, %add3A_80 : i32
    %dma_start3A_82 = tpu.memref_slice %arg3[%add3A_81] : memref<2097152xf32, #tpu.memory_space<hbm>> -> memref<8192xf32, #tpu.memory_space<hbm>>
    %dma_start3A_83 = tpu.memref_slice %arg3[%add3A_81] : memref<2097152xf32, #tpu.memory_space<hbm>> -> memref<8192xf32, #tpu.memory_space<hbm>>
    tpu.enqueue_dma source(%dma_start3A_83 : memref<8192xf32, #tpu.memory_space<hbm>>) target(%arg10 : memref<8192xf32, #tpu.memory_space<vmem>>) target_semaphore(%arg19 : memref<!tpu.dma_semaphore, #tpu.memory_space<semaphore_mem>>)
    %dma_wait3A_84 = tpu.memref_slice %arg2[%add3A_11] : memref<1048576xi32, #tpu.memory_space<hbm>> -> memref<8192xi32, #tpu.memory_space<hbm>>
    %dma_wait3A_85 = tpu.memref_slice %arg2[%add3A_11] : memref<1048576xi32, #tpu.memory_space<hbm>> -> memref<8192xi32, #tpu.memory_space<hbm>>
    tpu.wait_dma2 semaphore(%arg16 : memref<!tpu.dma_semaphore, #tpu.memory_space<semaphore_mem>>) src(%dma_wait3A_85 : memref<8192xi32, #tpu.memory_space<hbm>>) dst(%arg7 : memref<8192xi32, #tpu.memory_space<vmem>>)
    "tpu.region"() ({
      %run_scoped3A = tpu.sem_alloc : memref<!tpu.dma_semaphore, #tpu.memory_space<semaphore_mem>>
      %dma_start3A_189 = arith.constant 0 : i32
      %dma_start3A_190 = tpu.memref_slice %arg13[%dma_start3A_189] : memref<524800xf32, #tpu.memory_space<vmem_shared>> -> memref<524800xf32, #tpu.memory_space<vmem_shared>>
      tpu.enqueue_indirect_dma source(%arg9 : memref<8192xf32, #tpu.memory_space<vmem>>) target(%dma_start3A_190 : memref<524800xf32, #tpu.memory_space<vmem_shared>>) offsets(%arg7 : memref<8192xi32, #tpu.memory_space<vmem>>) semaphore(%run_scoped3A : memref<!tpu.dma_semaphore, #tpu.memory_space<semaphore_mem>>) {add = true}
      %dma_wait3A_191 = arith.constant 0 : i32
      %dma_wait3A_192 = tpu.memref_slice %arg13[%dma_wait3A_191] : memref<524800xf32, #tpu.memory_space<vmem_shared>> -> memref<524800xf32, #tpu.memory_space<vmem_shared>>
      tpu.wait_indirect_dma semaphore(%run_scoped3A : memref<!tpu.dma_semaphore, #tpu.memory_space<semaphore_mem>>) src(%arg9 : memref<8192xf32, #tpu.memory_space<vmem>>) dst(%dma_wait3A_192 : memref<524800xf32, #tpu.memory_space<vmem_shared>>)
      tpu.yield
    }) : () -> ()
    %dma_wait3A_86 = tpu.memref_slice %arg3[%add3A_81] : memref<2097152xf32, #tpu.memory_space<hbm>> -> memref<8192xf32, #tpu.memory_space<hbm>>
    %dma_wait3A_87 = tpu.memref_slice %arg3[%add3A_81] : memref<2097152xf32, #tpu.memory_space<hbm>> -> memref<8192xf32, #tpu.memory_space<hbm>>
    tpu.wait_dma2 semaphore(%arg19 : memref<!tpu.dma_semaphore, #tpu.memory_space<semaphore_mem>>) src(%dma_wait3A_87 : memref<8192xf32, #tpu.memory_space<hbm>>) dst(%arg10 : memref<8192xf32, #tpu.memory_space<vmem>>)
    %mul3A_88 = arith.constant 1048576 : i32
    %mul3A_89 = arith.muli %arg0, %mul3A_88 : i32
    %add3A_90 = arith.constant 524288 : i32
    %add3A_91 = arith.addi %mul3A_89, %add3A_90 : i32
    %mul3A_92 = arith.constant 32768 : i32
    %mul3A_93 = arith.muli %arg1, %mul3A_92 : i32
    %add3A_94 = arith.addi %add3A_91, %mul3A_93 : i32
    %add3A_95 = arith.constant 0 : i32
    %add3A_96 = arith.addi %add3A_94, %add3A_95 : i32
    %dma_start3A_97 = tpu.memref_slice %arg3[%add3A_96] : memref<2097152xf32, #tpu.memory_space<hbm>> -> memref<8192xf32, #tpu.memory_space<hbm>>
    %dma_start3A_98 = tpu.memref_slice %arg3[%add3A_96] : memref<2097152xf32, #tpu.memory_space<hbm>> -> memref<8192xf32, #tpu.memory_space<hbm>>
    tpu.enqueue_dma source(%dma_start3A_98 : memref<8192xf32, #tpu.memory_space<hbm>>) target(%arg9 : memref<8192xf32, #tpu.memory_space<vmem>>) target_semaphore(%arg18 : memref<!tpu.dma_semaphore, #tpu.memory_space<semaphore_mem>>)
    %dma_wait3A_99 = tpu.memref_slice %arg2[%add3A_15] : memref<1048576xi32, #tpu.memory_space<hbm>> -> memref<8192xi32, #tpu.memory_space<hbm>>
    %dma_wait3A_100 = tpu.memref_slice %arg2[%add3A_15] : memref<1048576xi32, #tpu.memory_space<hbm>> -> memref<8192xi32, #tpu.memory_space<hbm>>
    tpu.wait_dma2 semaphore(%arg17 : memref<!tpu.dma_semaphore, #tpu.memory_space<semaphore_mem>>) src(%dma_wait3A_100 : memref<8192xi32, #tpu.memory_space<hbm>>) dst(%arg8 : memref<8192xi32, #tpu.memory_space<vmem>>)
    "tpu.region"() ({
      %run_scoped3A = tpu.sem_alloc : memref<!tpu.dma_semaphore, #tpu.memory_space<semaphore_mem>>
      %dma_start3A_189 = arith.constant 0 : i32
      %dma_start3A_190 = tpu.memref_slice %arg13[%dma_start3A_189] : memref<524800xf32, #tpu.memory_space<vmem_shared>> -> memref<524800xf32, #tpu.memory_space<vmem_shared>>
      tpu.enqueue_indirect_dma source(%arg10 : memref<8192xf32, #tpu.memory_space<vmem>>) target(%dma_start3A_190 : memref<524800xf32, #tpu.memory_space<vmem_shared>>) offsets(%arg8 : memref<8192xi32, #tpu.memory_space<vmem>>) semaphore(%run_scoped3A : memref<!tpu.dma_semaphore, #tpu.memory_space<semaphore_mem>>) {add = true}
      %dma_wait3A_191 = arith.constant 0 : i32
      %dma_wait3A_192 = tpu.memref_slice %arg13[%dma_wait3A_191] : memref<524800xf32, #tpu.memory_space<vmem_shared>> -> memref<524800xf32, #tpu.memory_space<vmem_shared>>
      tpu.wait_indirect_dma semaphore(%run_scoped3A : memref<!tpu.dma_semaphore, #tpu.memory_space<semaphore_mem>>) src(%arg10 : memref<8192xf32, #tpu.memory_space<vmem>>) dst(%dma_wait3A_192 : memref<524800xf32, #tpu.memory_space<vmem_shared>>)
      tpu.yield
    }) : () -> ()
    %barrier3A_101 = arith.constant 0 : index
    tpu.barrier barrier_id(%barrier3A_101)
    %mul3A_102 = arith.constant 32800 : i32
    %mul3A_103 = arith.muli %arg1, %mul3A_102 : i32
    %add3A_104 = arith.constant 0 : i32
    %add3A_105 = arith.addi %mul3A_103, %add3A_104 : i32
    "tpu.region"() ({
      %run_scoped3A = tpu.sem_alloc : memref<!tpu.dma_semaphore, #tpu.memory_space<semaphore_mem>>
      %dma_start3A_189 = tpu.memref_slice %arg13[%add3A_105] : memref<524800xf32, #tpu.memory_space<vmem_shared>> -> memref<16400xf32, #tpu.memory_space<vmem_shared>>
      %dma_start3A_190 = tpu.memref_slice %arg13[%add3A_105] : memref<524800xf32, #tpu.memory_space<vmem_shared>> -> memref<16400xf32, #tpu.memory_space<vmem_shared>>
      tpu.enqueue_dma source(%dma_start3A_190 : memref<16400xf32, #tpu.memory_space<vmem_shared>>) target(%arg12 : memref<16400xf32, #tpu.memory_space<vmem>>) target_semaphore(%run_scoped3A : memref<!tpu.dma_semaphore, #tpu.memory_space<semaphore_mem>>)
      %dma_wait3A_191 = tpu.memref_slice %arg13[%add3A_105] : memref<524800xf32, #tpu.memory_space<vmem_shared>> -> memref<16400xf32, #tpu.memory_space<vmem_shared>>
      %dma_wait3A_192 = tpu.memref_slice %arg13[%add3A_105] : memref<524800xf32, #tpu.memory_space<vmem_shared>> -> memref<16400xf32, #tpu.memory_space<vmem_shared>>
      tpu.wait_dma2 semaphore(%run_scoped3A : memref<!tpu.dma_semaphore, #tpu.memory_space<semaphore_mem>>) src(%dma_wait3A_192 : memref<16400xf32, #tpu.memory_space<vmem_shared>>) dst(%arg12 : memref<16400xf32, #tpu.memory_space<vmem>>)
      tpu.yield
    }) : () -> ()
    %mul3A_106 = arith.constant 524800 : i32
    %mul3A_107 = arith.muli %arg0, %mul3A_106 : i32
    %add3A_108 = arith.constant 0 : i32
    %add3A_109 = arith.addi %add3A_108, %mul3A_107 : i32
    %add3A_110 = arith.addi %add3A_109, %add3A_105 : i32
    "tpu.region"() ({
      %run_scoped3A = tpu.sem_alloc : memref<!tpu.dma_semaphore, #tpu.memory_space<semaphore_mem>>
      %dma_start3A_189 = tpu.memref_slice %arg4[%add3A_110] : memref<2099200xf32, #tpu.memory_space<hbm>> -> memref<16400xf32, #tpu.memory_space<hbm>>
      %dma_start3A_190 = tpu.memref_slice %arg4[%add3A_110] : memref<2099200xf32, #tpu.memory_space<hbm>> -> memref<16400xf32, #tpu.memory_space<hbm>>
      tpu.enqueue_dma source(%arg12 : memref<16400xf32, #tpu.memory_space<vmem>>) target(%dma_start3A_190 : memref<16400xf32, #tpu.memory_space<hbm>>) target_semaphore(%run_scoped3A : memref<!tpu.dma_semaphore, #tpu.memory_space<semaphore_mem>>)
      %dma_wait3A_191 = tpu.memref_slice %arg4[%add3A_110] : memref<2099200xf32, #tpu.memory_space<hbm>> -> memref<16400xf32, #tpu.memory_space<hbm>>
      %dma_wait3A_192 = tpu.memref_slice %arg4[%add3A_110] : memref<2099200xf32, #tpu.memory_space<hbm>> -> memref<16400xf32, #tpu.memory_space<hbm>>
      tpu.wait_dma2 semaphore(%run_scoped3A : memref<!tpu.dma_semaphore, #tpu.memory_space<semaphore_mem>>) src(%arg12 : memref<16400xf32, #tpu.memory_space<vmem>>) dst(%dma_wait3A_192 : memref<16400xf32, #tpu.memory_space<hbm>>)
      tpu.yield
    }) : () -> ()
    %mul3A_111 = arith.constant 32800 : i32
    %mul3A_112 = arith.muli %arg1, %mul3A_111 : i32
    %add3A_113 = arith.constant 16400 : i32
    %add3A_114 = arith.addi %mul3A_112, %add3A_113 : i32
    "tpu.region"() ({
      %run_scoped3A = tpu.sem_alloc : memref<!tpu.dma_semaphore, #tpu.memory_space<semaphore_mem>>
      %dma_start3A_189 = tpu.memref_slice %arg13[%add3A_114] : memref<524800xf32, #tpu.memory_space<vmem_shared>> -> memref<16400xf32, #tpu.memory_space<vmem_shared>>
      %dma_start3A_190 = tpu.memref_slice %arg13[%add3A_114] : memref<524800xf32, #tpu.memory_space<vmem_shared>> -> memref<16400xf32, #tpu.memory_space<vmem_shared>>
      tpu.enqueue_dma source(%dma_start3A_190 : memref<16400xf32, #tpu.memory_space<vmem_shared>>) target(%arg12 : memref<16400xf32, #tpu.memory_space<vmem>>) target_semaphore(%run_scoped3A : memref<!tpu.dma_semaphore, #tpu.memory_space<semaphore_mem>>)
      %dma_wait3A_191 = tpu.memref_slice %arg13[%add3A_114] : memref<524800xf32, #tpu.memory_space<vmem_shared>> -> memref<16400xf32, #tpu.memory_space<vmem_shared>>
      %dma_wait3A_192 = tpu.memref_slice %arg13[%add3A_114] : memref<524800xf32, #tpu.memory_space<vmem_shared>> -> memref<16400xf32, #tpu.memory_space<vmem_shared>>
      tpu.wait_dma2 semaphore(%run_scoped3A : memref<!tpu.dma_semaphore, #tpu.memory_space<semaphore_mem>>) src(%dma_wait3A_192 : memref<16400xf32, #tpu.memory_space<vmem_shared>>) dst(%arg12 : memref<16400xf32, #tpu.memory_space<vmem>>)
      tpu.yield
    }) : () -> ()
    %mul3A_115 = arith.constant 524800 : i32
    %mul3A_116 = arith.muli %arg0, %mul3A_115 : i32
    %add3A_117 = arith.constant 0 : i32
    %add3A_118 = arith.addi %add3A_117, %mul3A_116 : i32
    %add3A_119 = arith.addi %add3A_118, %add3A_114 : i32
    "tpu.region"() ({
      %run_scoped3A = tpu.sem_alloc : memref<!tpu.dma_semaphore, #tpu.memory_space<semaphore_mem>>
      %dma_start3A_189 = tpu.memref_slice %arg4[%add3A_119] : memref<2099200xf32, #tpu.memory_space<hbm>> -> memref<16400xf32, #tpu.memory_space<hbm>>
      %dma_start3A_190 = tpu.memref_slice %arg4[%add3A_119] : memref<2099200xf32, #tpu.memory_space<hbm>> -> memref<16400xf32, #tpu.memory_space<hbm>>
      tpu.enqueue_dma source(%arg12 : memref<16400xf32, #tpu.memory_space<vmem>>) target(%dma_start3A_190 : memref<16400xf32, #tpu.memory_space<hbm>>) target_semaphore(%run_scoped3A : memref<!tpu.dma_semaphore, #tpu.memory_space<semaphore_mem>>)
      %dma_wait3A_191 = tpu.memref_slice %arg4[%add3A_119] : memref<2099200xf32, #tpu.memory_space<hbm>> -> memref<16400xf32, #tpu.memory_space<hbm>>
      %dma_wait3A_192 = tpu.memref_slice %arg4[%add3A_119] : memref<2099200xf32, #tpu.memory_space<hbm>> -> memref<16400xf32, #tpu.memory_space<hbm>>
      tpu.wait_dma2 semaphore(%run_scoped3A : memref<!tpu.dma_semaphore, #tpu.memory_space<semaphore_mem>>) src(%arg12 : memref<16400xf32, #tpu.memory_space<vmem>>) dst(%dma_wait3A_192 : memref<16400xf32, #tpu.memory_space<hbm>>)
      tpu.yield
    }) : () -> ()
    %mul3A_120 = arith.constant 32800 : i32
    %mul3A_121 = arith.muli %arg1, %mul3A_120 : i32
    %add3A_122 = arith.constant 0 : i32
    %add3A_123 = arith.addi %mul3A_121, %add3A_122 : i32
    "tpu.region"() ({
      %run_scoped3A = tpu.sem_alloc : memref<!tpu.dma_semaphore, #tpu.memory_space<semaphore_mem>>
      %dma_start3A_189 = tpu.memref_slice %arg13[%add3A_123] : memref<524800xf32, #tpu.memory_space<vmem_shared>> -> memref<16400xf32, #tpu.memory_space<vmem_shared>>
      %dma_start3A_190 = tpu.memref_slice %arg13[%add3A_123] : memref<524800xf32, #tpu.memory_space<vmem_shared>> -> memref<16400xf32, #tpu.memory_space<vmem_shared>>
      tpu.enqueue_dma source(%arg11 : memref<16400xf32, #tpu.memory_space<vmem>>) target(%dma_start3A_190 : memref<16400xf32, #tpu.memory_space<vmem_shared>>) target_semaphore(%run_scoped3A : memref<!tpu.dma_semaphore, #tpu.memory_space<semaphore_mem>>)
      %dma_wait3A_191 = tpu.memref_slice %arg13[%add3A_123] : memref<524800xf32, #tpu.memory_space<vmem_shared>> -> memref<16400xf32, #tpu.memory_space<vmem_shared>>
      %dma_wait3A_192 = tpu.memref_slice %arg13[%add3A_123] : memref<524800xf32, #tpu.memory_space<vmem_shared>> -> memref<16400xf32, #tpu.memory_space<vmem_shared>>
      tpu.wait_dma2 semaphore(%run_scoped3A : memref<!tpu.dma_semaphore, #tpu.memory_space<semaphore_mem>>) src(%arg11 : memref<16400xf32, #tpu.memory_space<vmem>>) dst(%dma_wait3A_192 : memref<16400xf32, #tpu.memory_space<vmem_shared>>)
      tpu.yield
    }) : () -> ()
    %mul3A_124 = arith.constant 32800 : i32
    %mul3A_125 = arith.muli %arg1, %mul3A_124 : i32
    %add3A_126 = arith.constant 16400 : i32
    %add3A_127 = arith.addi %mul3A_125, %add3A_126 : i32
    "tpu.region"() ({
      %run_scoped3A = tpu.sem_alloc : memref<!tpu.dma_semaphore, #tpu.memory_space<semaphore_mem>>
      %dma_start3A_189 = tpu.memref_slice %arg13[%add3A_127] : memref<524800xf32, #tpu.memory_space<vmem_shared>> -> memref<16400xf32, #tpu.memory_space<vmem_shared>>
      %dma_start3A_190 = tpu.memref_slice %arg13[%add3A_127] : memref<524800xf32, #tpu.memory_space<vmem_shared>> -> memref<16400xf32, #tpu.memory_space<vmem_shared>>
      tpu.enqueue_dma source(%arg11 : memref<16400xf32, #tpu.memory_space<vmem>>) target(%dma_start3A_190 : memref<16400xf32, #tpu.memory_space<vmem_shared>>) target_semaphore(%run_scoped3A : memref<!tpu.dma_semaphore, #tpu.memory_space<semaphore_mem>>)
      %dma_wait3A_191 = tpu.memref_slice %arg13[%add3A_127] : memref<524800xf32, #tpu.memory_space<vmem_shared>> -> memref<16400xf32, #tpu.memory_space<vmem_shared>>
      %dma_wait3A_192 = tpu.memref_slice %arg13[%add3A_127] : memref<524800xf32, #tpu.memory_space<vmem_shared>> -> memref<16400xf32, #tpu.memory_space<vmem_shared>>
      tpu.wait_dma2 semaphore(%run_scoped3A : memref<!tpu.dma_semaphore, #tpu.memory_space<semaphore_mem>>) src(%arg11 : memref<16400xf32, #tpu.memory_space<vmem>>) dst(%dma_wait3A_192 : memref<16400xf32, #tpu.memory_space<vmem_shared>>)
      tpu.yield
    }) : () -> ()
    %barrier3A_128 = arith.constant 0 : index
    tpu.barrier barrier_id(%barrier3A_128)
    %dma_wait3A_129 = tpu.memref_slice %arg3[%add3A_96] : memref<2097152xf32, #tpu.memory_space<hbm>> -> memref<8192xf32, #tpu.memory_space<hbm>>
    %dma_wait3A_130 = tpu.memref_slice %arg3[%add3A_96] : memref<2097152xf32, #tpu.memory_space<hbm>> -> memref<8192xf32, #tpu.memory_space<hbm>>
    tpu.wait_dma2 semaphore(%arg18 : memref<!tpu.dma_semaphore, #tpu.memory_space<semaphore_mem>>) src(%dma_wait3A_130 : memref<8192xf32, #tpu.memory_space<hbm>>) dst(%arg9 : memref<8192xf32, #tpu.memory_space<vmem>>)
    %mul3A_131 = arith.constant 1048576 : i32
    %mul3A_132 = arith.muli %arg0, %mul3A_131 : i32
    %add3A_133 = arith.constant 524288 : i32
    %add3A_134 = arith.addi %mul3A_132, %add3A_133 : i32
    %mul3A_135 = arith.constant 32768 : i32
    %mul3A_136 = arith.muli %arg1, %mul3A_135 : i32
    %add3A_137 = arith.addi %add3A_134, %mul3A_136 : i32
    %add3A_138 = arith.constant 8192 : i32
    %add3A_139 = arith.addi %add3A_137, %add3A_138 : i32
    %dma_start3A_140 = tpu.memref_slice %arg3[%add3A_139] : memref<2097152xf32, #tpu.memory_space<hbm>> -> memref<8192xf32, #tpu.memory_space<hbm>>
    %dma_start3A_141 = tpu.memref_slice %arg3[%add3A_139] : memref<2097152xf32, #tpu.memory_space<hbm>> -> memref<8192xf32, #tpu.memory_space<hbm>>
    tpu.enqueue_dma source(%dma_start3A_141 : memref<8192xf32, #tpu.memory_space<hbm>>) target(%arg10 : memref<8192xf32, #tpu.memory_space<vmem>>) target_semaphore(%arg19 : memref<!tpu.dma_semaphore, #tpu.memory_space<semaphore_mem>>)
    "tpu.region"() ({
      %run_scoped3A = tpu.sem_alloc : memref<!tpu.dma_semaphore, #tpu.memory_space<semaphore_mem>>
      %dma_start3A_189 = arith.constant 0 : i32
      %dma_start3A_190 = tpu.memref_slice %arg13[%dma_start3A_189] : memref<524800xf32, #tpu.memory_space<vmem_shared>> -> memref<524800xf32, #tpu.memory_space<vmem_shared>>
      tpu.enqueue_indirect_dma source(%arg9 : memref<8192xf32, #tpu.memory_space<vmem>>) target(%dma_start3A_190 : memref<524800xf32, #tpu.memory_space<vmem_shared>>) offsets(%arg5 : memref<8192xi32, #tpu.memory_space<vmem>>) semaphore(%run_scoped3A : memref<!tpu.dma_semaphore, #tpu.memory_space<semaphore_mem>>) {add = true}
      %dma_wait3A_191 = arith.constant 0 : i32
      %dma_wait3A_192 = tpu.memref_slice %arg13[%dma_wait3A_191] : memref<524800xf32, #tpu.memory_space<vmem_shared>> -> memref<524800xf32, #tpu.memory_space<vmem_shared>>
      tpu.wait_indirect_dma semaphore(%run_scoped3A : memref<!tpu.dma_semaphore, #tpu.memory_space<semaphore_mem>>) src(%arg9 : memref<8192xf32, #tpu.memory_space<vmem>>) dst(%dma_wait3A_192 : memref<524800xf32, #tpu.memory_space<vmem_shared>>)
      tpu.yield
    }) : () -> ()
    %dma_wait3A_142 = tpu.memref_slice %arg3[%add3A_139] : memref<2097152xf32, #tpu.memory_space<hbm>> -> memref<8192xf32, #tpu.memory_space<hbm>>
    %dma_wait3A_143 = tpu.memref_slice %arg3[%add3A_139] : memref<2097152xf32, #tpu.memory_space<hbm>> -> memref<8192xf32, #tpu.memory_space<hbm>>
    tpu.wait_dma2 semaphore(%arg19 : memref<!tpu.dma_semaphore, #tpu.memory_space<semaphore_mem>>) src(%dma_wait3A_143 : memref<8192xf32, #tpu.memory_space<hbm>>) dst(%arg10 : memref<8192xf32, #tpu.memory_space<vmem>>)
    %mul3A_144 = arith.constant 1048576 : i32
    %mul3A_145 = arith.muli %arg0, %mul3A_144 : i32
    %add3A_146 = arith.constant 524288 : i32
    %add3A_147 = arith.addi %mul3A_145, %add3A_146 : i32
    %mul3A_148 = arith.constant 32768 : i32
    %mul3A_149 = arith.muli %arg1, %mul3A_148 : i32
    %add3A_150 = arith.addi %add3A_147, %mul3A_149 : i32
    %add3A_151 = arith.constant 16384 : i32
    %add3A_152 = arith.addi %add3A_150, %add3A_151 : i32
    %dma_start3A_153 = tpu.memref_slice %arg3[%add3A_152] : memref<2097152xf32, #tpu.memory_space<hbm>> -> memref<8192xf32, #tpu.memory_space<hbm>>
    %dma_start3A_154 = tpu.memref_slice %arg3[%add3A_152] : memref<2097152xf32, #tpu.memory_space<hbm>> -> memref<8192xf32, #tpu.memory_space<hbm>>
    tpu.enqueue_dma source(%dma_start3A_154 : memref<8192xf32, #tpu.memory_space<hbm>>) target(%arg9 : memref<8192xf32, #tpu.memory_space<vmem>>) target_semaphore(%arg18 : memref<!tpu.dma_semaphore, #tpu.memory_space<semaphore_mem>>)
    "tpu.region"() ({
      %run_scoped3A = tpu.sem_alloc : memref<!tpu.dma_semaphore, #tpu.memory_space<semaphore_mem>>
      %dma_start3A_189 = arith.constant 0 : i32
      %dma_start3A_190 = tpu.memref_slice %arg13[%dma_start3A_189] : memref<524800xf32, #tpu.memory_space<vmem_shared>> -> memref<524800xf32, #tpu.memory_space<vmem_shared>>
      tpu.enqueue_indirect_dma source(%arg10 : memref<8192xf32, #tpu.memory_space<vmem>>) target(%dma_start3A_190 : memref<524800xf32, #tpu.memory_space<vmem_shared>>) offsets(%arg6 : memref<8192xi32, #tpu.memory_space<vmem>>) semaphore(%run_scoped3A : memref<!tpu.dma_semaphore, #tpu.memory_space<semaphore_mem>>) {add = true}
      %dma_wait3A_191 = arith.constant 0 : i32
      %dma_wait3A_192 = tpu.memref_slice %arg13[%dma_wait3A_191] : memref<524800xf32, #tpu.memory_space<vmem_shared>> -> memref<524800xf32, #tpu.memory_space<vmem_shared>>
      tpu.wait_indirect_dma semaphore(%run_scoped3A : memref<!tpu.dma_semaphore, #tpu.memory_space<semaphore_mem>>) src(%arg10 : memref<8192xf32, #tpu.memory_space<vmem>>) dst(%dma_wait3A_192 : memref<524800xf32, #tpu.memory_space<vmem_shared>>)
      tpu.yield
    }) : () -> ()
    %dma_wait3A_155 = tpu.memref_slice %arg3[%add3A_152] : memref<2097152xf32, #tpu.memory_space<hbm>> -> memref<8192xf32, #tpu.memory_space<hbm>>
    %dma_wait3A_156 = tpu.memref_slice %arg3[%add3A_152] : memref<2097152xf32, #tpu.memory_space<hbm>> -> memref<8192xf32, #tpu.memory_space<hbm>>
    tpu.wait_dma2 semaphore(%arg18 : memref<!tpu.dma_semaphore, #tpu.memory_space<semaphore_mem>>) src(%dma_wait3A_156 : memref<8192xf32, #tpu.memory_space<hbm>>) dst(%arg9 : memref<8192xf32, #tpu.memory_space<vmem>>)
    %mul3A_157 = arith.constant 1048576 : i32
    %mul3A_158 = arith.muli %arg0, %mul3A_157 : i32
    %add3A_159 = arith.constant 524288 : i32
    %add3A_160 = arith.addi %mul3A_158, %add3A_159 : i32
    %mul3A_161 = arith.constant 32768 : i32
    %mul3A_162 = arith.muli %arg1, %mul3A_161 : i32
    %add3A_163 = arith.addi %add3A_160, %mul3A_162 : i32
    %add3A_164 = arith.constant 24576 : i32
    %add3A_165 = arith.addi %add3A_163, %add3A_164 : i32
    %dma_start3A_166 = tpu.memref_slice %arg3[%add3A_165] : memref<2097152xf32, #tpu.memory_space<hbm>> -> memref<8192xf32, #tpu.memory_space<hbm>>
    %dma_start3A_167 = tpu.memref_slice %arg3[%add3A_165] : memref<2097152xf32, #tpu.memory_space<hbm>> -> memref<8192xf32, #tpu.memory_space<hbm>>
    tpu.enqueue_dma source(%dma_start3A_167 : memref<8192xf32, #tpu.memory_space<hbm>>) target(%arg10 : memref<8192xf32, #tpu.memory_space<vmem>>) target_semaphore(%arg19 : memref<!tpu.dma_semaphore, #tpu.memory_space<semaphore_mem>>)
    "tpu.region"() ({
      %run_scoped3A = tpu.sem_alloc : memref<!tpu.dma_semaphore, #tpu.memory_space<semaphore_mem>>
      %dma_start3A_189 = arith.constant 0 : i32
      %dma_start3A_190 = tpu.memref_slice %arg13[%dma_start3A_189] : memref<524800xf32, #tpu.memory_space<vmem_shared>> -> memref<524800xf32, #tpu.memory_space<vmem_shared>>
      tpu.enqueue_indirect_dma source(%arg9 : memref<8192xf32, #tpu.memory_space<vmem>>) target(%dma_start3A_190 : memref<524800xf32, #tpu.memory_space<vmem_shared>>) offsets(%arg7 : memref<8192xi32, #tpu.memory_space<vmem>>) semaphore(%run_scoped3A : memref<!tpu.dma_semaphore, #tpu.memory_space<semaphore_mem>>) {add = true}
      %dma_wait3A_191 = arith.constant 0 : i32
      %dma_wait3A_192 = tpu.memref_slice %arg13[%dma_wait3A_191] : memref<524800xf32, #tpu.memory_space<vmem_shared>> -> memref<524800xf32, #tpu.memory_space<vmem_shared>>
      tpu.wait_indirect_dma semaphore(%run_scoped3A : memref<!tpu.dma_semaphore, #tpu.memory_space<semaphore_mem>>) src(%arg9 : memref<8192xf32, #tpu.memory_space<vmem>>) dst(%dma_wait3A_192 : memref<524800xf32, #tpu.memory_space<vmem_shared>>)
      tpu.yield
    }) : () -> ()
    %dma_wait3A_168 = tpu.memref_slice %arg3[%add3A_165] : memref<2097152xf32, #tpu.memory_space<hbm>> -> memref<8192xf32, #tpu.memory_space<hbm>>
    %dma_wait3A_169 = tpu.memref_slice %arg3[%add3A_165] : memref<2097152xf32, #tpu.memory_space<hbm>> -> memref<8192xf32, #tpu.memory_space<hbm>>
    tpu.wait_dma2 semaphore(%arg19 : memref<!tpu.dma_semaphore, #tpu.memory_space<semaphore_mem>>) src(%dma_wait3A_169 : memref<8192xf32, #tpu.memory_space<hbm>>) dst(%arg10 : memref<8192xf32, #tpu.memory_space<vmem>>)
    "tpu.region"() ({
      %run_scoped3A = tpu.sem_alloc : memref<!tpu.dma_semaphore, #tpu.memory_space<semaphore_mem>>
      %dma_start3A_189 = arith.constant 0 : i32
      %dma_start3A_190 = tpu.memref_slice %arg13[%dma_start3A_189] : memref<524800xf32, #tpu.memory_space<vmem_shared>> -> memref<524800xf32, #tpu.memory_space<vmem_shared>>
      tpu.enqueue_indirect_dma source(%arg10 : memref<8192xf32, #tpu.memory_space<vmem>>) target(%dma_start3A_190 : memref<524800xf32, #tpu.memory_space<vmem_shared>>) offsets(%arg8 : memref<8192xi32, #tpu.memory_space<vmem>>) semaphore(%run_scoped3A : memref<!tpu.dma_semaphore, #tpu.memory_space<semaphore_mem>>) {add = true}
      %dma_wait3A_191 = arith.constant 0 : i32
      %dma_wait3A_192 = tpu.memref_slice %arg13[%dma_wait3A_191] : memref<524800xf32, #tpu.memory_space<vmem_shared>> -> memref<524800xf32, #tpu.memory_space<vmem_shared>>
      tpu.wait_indirect_dma semaphore(%run_scoped3A : memref<!tpu.dma_semaphore, #tpu.memory_space<semaphore_mem>>) src(%arg10 : memref<8192xf32, #tpu.memory_space<vmem>>) dst(%dma_wait3A_192 : memref<524800xf32, #tpu.memory_space<vmem_shared>>)
      tpu.yield
    }) : () -> ()
    %barrier3A_170 = arith.constant 0 : index
    tpu.barrier barrier_id(%barrier3A_170)
    %mul3A_171 = arith.constant 32800 : i32
    %mul3A_172 = arith.muli %arg1, %mul3A_171 : i32
    %add3A_173 = arith.constant 0 : i32
    %add3A_174 = arith.addi %mul3A_172, %add3A_173 : i32
    "tpu.region"() ({
      %run_scoped3A = tpu.sem_alloc : memref<!tpu.dma_semaphore, #tpu.memory_space<semaphore_mem>>
      %dma_start3A_189 = tpu.memref_slice %arg13[%add3A_174] : memref<524800xf32, #tpu.memory_space<vmem_shared>> -> memref<16400xf32, #tpu.memory_space<vmem_shared>>
      %dma_start3A_190 = tpu.memref_slice %arg13[%add3A_174] : memref<524800xf32, #tpu.memory_space<vmem_shared>> -> memref<16400xf32, #tpu.memory_space<vmem_shared>>
      tpu.enqueue_dma source(%dma_start3A_190 : memref<16400xf32, #tpu.memory_space<vmem_shared>>) target(%arg12 : memref<16400xf32, #tpu.memory_space<vmem>>) target_semaphore(%run_scoped3A : memref<!tpu.dma_semaphore, #tpu.memory_space<semaphore_mem>>)
      %dma_wait3A_191 = tpu.memref_slice %arg13[%add3A_174] : memref<524800xf32, #tpu.memory_space<vmem_shared>> -> memref<16400xf32, #tpu.memory_space<vmem_shared>>
      %dma_wait3A_192 = tpu.memref_slice %arg13[%add3A_174] : memref<524800xf32, #tpu.memory_space<vmem_shared>> -> memref<16400xf32, #tpu.memory_space<vmem_shared>>
      tpu.wait_dma2 semaphore(%run_scoped3A : memref<!tpu.dma_semaphore, #tpu.memory_space<semaphore_mem>>) src(%dma_wait3A_192 : memref<16400xf32, #tpu.memory_space<vmem_shared>>) dst(%arg12 : memref<16400xf32, #tpu.memory_space<vmem>>)
      tpu.yield
    }) : () -> ()
    %mul3A_175 = arith.constant 524800 : i32
    %mul3A_176 = arith.muli %arg0, %mul3A_175 : i32
    %add3A_177 = arith.constant 1049600 : i32
    %add3A_178 = arith.addi %add3A_177, %mul3A_176 : i32
    %add3A_179 = arith.addi %add3A_178, %add3A_174 : i32
    "tpu.region"() ({
      %run_scoped3A = tpu.sem_alloc : memref<!tpu.dma_semaphore, #tpu.memory_space<semaphore_mem>>
      %dma_start3A_189 = tpu.memref_slice %arg4[%add3A_179] : memref<2099200xf32, #tpu.memory_space<hbm>> -> memref<16400xf32, #tpu.memory_space<hbm>>
      %dma_start3A_190 = tpu.memref_slice %arg4[%add3A_179] : memref<2099200xf32, #tpu.memory_space<hbm>> -> memref<16400xf32, #tpu.memory_space<hbm>>
      tpu.enqueue_dma source(%arg12 : memref<16400xf32, #tpu.memory_space<vmem>>) target(%dma_start3A_190 : memref<16400xf32, #tpu.memory_space<hbm>>) target_semaphore(%run_scoped3A : memref<!tpu.dma_semaphore, #tpu.memory_space<semaphore_mem>>)
      %dma_wait3A_191 = tpu.memref_slice %arg4[%add3A_179] : memref<2099200xf32, #tpu.memory_space<hbm>> -> memref<16400xf32, #tpu.memory_space<hbm>>
      %dma_wait3A_192 = tpu.memref_slice %arg4[%add3A_179] : memref<2099200xf32, #tpu.memory_space<hbm>> -> memref<16400xf32, #tpu.memory_space<hbm>>
      tpu.wait_dma2 semaphore(%run_scoped3A : memref<!tpu.dma_semaphore, #tpu.memory_space<semaphore_mem>>) src(%arg12 : memref<16400xf32, #tpu.memory_space<vmem>>) dst(%dma_wait3A_192 : memref<16400xf32, #tpu.memory_space<hbm>>)
      tpu.yield
    }) : () -> ()
    %mul3A_180 = arith.constant 32800 : i32
    %mul3A_181 = arith.muli %arg1, %mul3A_180 : i32
    %add3A_182 = arith.constant 16400 : i32
    %add3A_183 = arith.addi %mul3A_181, %add3A_182 : i32
    "tpu.region"() ({
      %run_scoped3A = tpu.sem_alloc : memref<!tpu.dma_semaphore, #tpu.memory_space<semaphore_mem>>
      %dma_start3A_189 = tpu.memref_slice %arg13[%add3A_183] : memref<524800xf32, #tpu.memory_space<vmem_shared>> -> memref<16400xf32, #tpu.memory_space<vmem_shared>>
      %dma_start3A_190 = tpu.memref_slice %arg13[%add3A_183] : memref<524800xf32, #tpu.memory_space<vmem_shared>> -> memref<16400xf32, #tpu.memory_space<vmem_shared>>
      tpu.enqueue_dma source(%dma_start3A_190 : memref<16400xf32, #tpu.memory_space<vmem_shared>>) target(%arg12 : memref<16400xf32, #tpu.memory_space<vmem>>) target_semaphore(%run_scoped3A : memref<!tpu.dma_semaphore, #tpu.memory_space<semaphore_mem>>)
      %dma_wait3A_191 = tpu.memref_slice %arg13[%add3A_183] : memref<524800xf32, #tpu.memory_space<vmem_shared>> -> memref<16400xf32, #tpu.memory_space<vmem_shared>>
      %dma_wait3A_192 = tpu.memref_slice %arg13[%add3A_183] : memref<524800xf32, #tpu.memory_space<vmem_shared>> -> memref<16400xf32, #tpu.memory_space<vmem_shared>>
      tpu.wait_dma2 semaphore(%run_scoped3A : memref<!tpu.dma_semaphore, #tpu.memory_space<semaphore_mem>>) src(%dma_wait3A_192 : memref<16400xf32, #tpu.memory_space<vmem_shared>>) dst(%arg12 : memref<16400xf32, #tpu.memory_space<vmem>>)
      tpu.yield
    }) : () -> ()
    %mul3A_184 = arith.constant 524800 : i32
    %mul3A_185 = arith.muli %arg0, %mul3A_184 : i32
    %add3A_186 = arith.constant 1049600 : i32
    %add3A_187 = arith.addi %add3A_186, %mul3A_185 : i32
    %add3A_188 = arith.addi %add3A_187, %add3A_183 : i32
    "tpu.region"() ({
      %run_scoped3A = tpu.sem_alloc : memref<!tpu.dma_semaphore, #tpu.memory_space<semaphore_mem>>
      %dma_start3A_189 = tpu.memref_slice %arg4[%add3A_188] : memref<2099200xf32, #tpu.memory_space<hbm>> -> memref<16400xf32, #tpu.memory_space<hbm>>
      %dma_start3A_190 = tpu.memref_slice %arg4[%add3A_188] : memref<2099200xf32, #tpu.memory_space<hbm>> -> memref<16400xf32, #tpu.memory_space<hbm>>
      tpu.enqueue_dma source(%arg12 : memref<16400xf32, #tpu.memory_space<vmem>>) target(%dma_start3A_190 : memref<16400xf32, #tpu.memory_space<hbm>>) target_semaphore(%run_scoped3A : memref<!tpu.dma_semaphore, #tpu.memory_space<semaphore_mem>>)
      %dma_wait3A_191 = tpu.memref_slice %arg4[%add3A_188] : memref<2099200xf32, #tpu.memory_space<hbm>> -> memref<16400xf32, #tpu.memory_space<hbm>>
      %dma_wait3A_192 = tpu.memref_slice %arg4[%add3A_188] : memref<2099200xf32, #tpu.memory_space<hbm>> -> memref<16400xf32, #tpu.memory_space<hbm>>
      tpu.wait_dma2 semaphore(%run_scoped3A : memref<!tpu.dma_semaphore, #tpu.memory_space<semaphore_mem>>) src(%arg12 : memref<16400xf32, #tpu.memory_space<vmem>>) dst(%dma_wait3A_192 : memref<16400xf32, #tpu.memory_space<hbm>>)
      tpu.yield
    }) : () -> ()
    return
  }
}

module attributes {stable_mosaic.version = 14 : i64} {
  func.func @_prop_kernel(%arg0: i32, %arg1: memref<1x64x64x64xi32, #tpu.memory_space<vmem>>, %arg2: memref<1x2x64x64x64xf32, #tpu.memory_space<vmem>>, %arg3: memref<1x64x64x128xi32, #tpu.memory_space<vmem>>, %arg4: memref<1x2x64x64x128xf32, #tpu.memory_space<vmem>>) attributes {dimension_semantics = [#tpu.dimension_semantics<arbitrary>], iteration_bounds = array<i64: 2>, scalar_prefetch = 0 : i64, scratch_operands = 0 : i64, tpu.core_type = #tpu.core_type<tc>, window_params = [{transform_indices = @transform_0, window_bounds = array<i64: 1, 64, 64, 64>}, {transform_indices = @transform_1, window_bounds = array<i64: 1, 2, 64, 64, 64>}, {transform_indices = @transform_2, window_bounds = array<i64: 1, 64, 64, 128>}, {transform_indices = @transform_3, window_bounds = array<i64: 1, 2, 64, 64, 128>}]} {
    %get3A = arith.constant 0 : index
    %get3A_0 = arith.constant 0 : index
    %get3A_1 = arith.constant 0 : index
    %get3A_2 = arith.constant 0 : index
    %get3A_3 = vector.load %arg1[%get3A, %get3A_0, %get3A_1, %get3A_2] : memref<1x64x64x64xi32, #tpu.memory_space<vmem>>, vector<1x64x64x64xi32>
    %get3A_4 = vector.shape_cast %get3A_3 : vector<1x64x64x64xi32> to vector<64x64x64xi32>
    %concatenate3A = tpu.concatenate %get3A_4, %get3A_4 in 2 : vector<64x64x64xi32>, vector<64x64x64xi32> -> vector<64x64x128xi32>
    %iota3A = tpu.iota {dimensions = array<i32: 2>} : vector<64x64x128xi32>
    %ge3A = arith.constant 64 : i32
    %ge3A_5 = vector.broadcast %ge3A : i32 to vector<64x64x128xi32>
    %ge3A_6 = arith.cmpi sge, %iota3A, %ge3A_5 : vector<64x64x128xi32>
    %convert_element_type3A = arith.extui %ge3A_6 : vector<64x64x128xi1> to vector<64x64x128xi32>
    %add3A = arith.constant 1 : i32
    %add3A_7 = vector.broadcast %add3A : i32 to vector<64x64x128xi32>
    %add3A_8 = arith.addi %add3A_7, %convert_element_type3A : vector<64x64x128xi32>
    %eq3A = arith.cmpi eq, %concatenate3A, %add3A_8 : vector<64x64x128xi32>
    %iota3A_9 = tpu.iota {dimensions = array<i32: 0>} : vector<64x64x128xi32>
    %iota3A_10 = tpu.iota {dimensions = array<i32: 1>} : vector<64x64x128xi32>
    %jit3A = arith.constant 64 : i32
    %eq3A_11 = arith.constant 0 : i32
    %eq3A_12 = arith.cmpi eq, %jit3A, %eq3A_11 : i32
    %jit3A_13 = arith.constant 1 : i32
    %select_n3A = arith.select %eq3A_12, %jit3A_13, %jit3A : i32
    %rem3A = vector.broadcast %select_n3A : i32 to vector<64x64x128xi32>
    %rem3A_14 = arith.remsi %iota3A, %rem3A : vector<64x64x128xi32>
    %ne3A = arith.constant 0 : i32
    %ne3A_15 = vector.broadcast %ne3A : i32 to vector<64x64x128xi32>
    %ne3A_16 = arith.cmpi ne, %rem3A_14, %ne3A_15 : vector<64x64x128xi32>
    %lt3A = arith.constant 0 : i32
    %lt3A_17 = vector.broadcast %lt3A : i32 to vector<64x64x128xi32>
    %lt3A_18 = arith.cmpi slt, %rem3A_14, %lt3A_17 : vector<64x64x128xi32>
    %lt3A_19 = arith.constant 0 : i32
    %lt3A_20 = arith.cmpi slt, %select_n3A, %lt3A_19 : i32
    %ne3A_21 = vector.broadcast %lt3A_20 : i1 to vector<64x64x128xi1>
    %ne3A_22 = vector.broadcast %ne3A_21 : vector<64x64x128xi1> to vector<64x64x128xi1>
    %ne3A_23 = arith.xori %lt3A_18, %ne3A_22 : vector<64x64x128xi1>
    %and3A = arith.andi %ne3A_23, %ne3A_16 : vector<64x64x128xi1>
    %add3A_24 = vector.broadcast %select_n3A : i32 to vector<64x64x128xi32>
    %add3A_25 = arith.addi %rem3A_14, %add3A_24 : vector<64x64x128xi32>
    %select_n3A_26 = arith.select %and3A, %add3A_25, %rem3A_14 : vector<64x64x128xi1>, vector<64x64x128xi32>
    %mul3A = arith.constant 4096 : i32
    %mul3A_27 = vector.broadcast %mul3A : i32 to vector<64x64x128xi32>
    %mul3A_28 = arith.muli %iota3A_9, %mul3A_27 : vector<64x64x128xi32>
    %mul3A_29 = arith.constant 64 : i32
    %mul3A_30 = vector.broadcast %mul3A_29 : i32 to vector<64x64x128xi32>
    %mul3A_31 = arith.muli %iota3A_10, %mul3A_30 : vector<64x64x128xi32>
    %add3A_32 = arith.addi %mul3A_28, %mul3A_31 : vector<64x64x128xi32>
    %add3A_33 = arith.addi %add3A_32, %select_n3A_26 : vector<64x64x128xi32>
    %add3A_34 = arith.constant 1 : i32
    %add3A_35 = vector.broadcast %add3A_34 : i32 to vector<64x64x128xi32>
    %add3A_36 = arith.addi %add3A_33, %add3A_35 : vector<64x64x128xi32>
    %broadcast_in_dim3A = arith.constant 0 : i32
    %broadcast_in_dim3A_37 = vector.broadcast %broadcast_in_dim3A : i32 to vector<64x64x128xi32>
    %ne3A_38 = arith.constant 0 : i32
    %ne3A_39 = vector.broadcast %ne3A_38 : i32 to vector<64x64x128xi32>
    %ne3A_40 = arith.cmpi ne, %select_n3A_26, %ne3A_39 : vector<64x64x128xi32>
    %ne3A_41 = arith.constant 63 : i32
    %ne3A_42 = vector.broadcast %ne3A_41 : i32 to vector<64x64x128xi32>
    %ne3A_43 = arith.cmpi ne, %select_n3A_26, %ne3A_42 : vector<64x64x128xi32>
    %jit3A_44 = arith.constant 0 : i32
    %broadcast_in_dim3A_45 = vector.broadcast %jit3A_44 : i32 to vector<64x64x128xi32>
    %select_n3A_46 = arith.select %eq3A, %add3A_36, %broadcast_in_dim3A_45 : vector<64x64x128xi1>, vector<64x64x128xi32>
    %while3A = arith.constant 0 : i32
    %while3A_47 = arith.constant true
    %while3A_48:3 = scf.while (%while3A_106 = %while3A, %while3A_107 = %select_n3A_46, %while3A_108 = %while3A_47) : (i32, vector<64x64x128xi32>, i1) -> (i32, vector<64x64x128xi32>, i1) {
      %lt3A_109 = arith.constant 8 : i32
      %lt3A_110 = arith.cmpi slt, %while3A_106, %lt3A_109 : i32
      %and3A_111 = arith.andi %lt3A_110, %while3A_108 : i1
      scf.condition(%and3A_111) %while3A_106, %while3A_107, %while3A_108 : i32, vector<64x64x128xi32>, i1
    } do {
    ^bb0(%while3A_106: i32, %while3A_107: vector<64x64x128xi32>, %while3A_108: i1):
      %broadcast_in_dim3A_109 = arith.constant 0 : i32
      %broadcast_in_dim3A_110 = vector.broadcast %broadcast_in_dim3A_109 : i32 to vector<1x64x128xi32>
      %slice3A = vector.extract_strided_slice %while3A_107 {offsets = [0, 0, 0], sizes = [63, 64, 128], strides = [1, 1, 1]} : vector<64x64x128xi32> to vector<63x64x128xi32>
      %concatenate3A_111 = tpu.concatenate %broadcast_in_dim3A_110, %slice3A in 0 : vector<1x64x128xi32>, vector<63x64x128xi32> -> vector<64x64x128xi32>
      %max3A_112 = arith.maxsi %while3A_107, %concatenate3A_111 : vector<64x64x128xi32>
      %slice3A_113 = vector.extract_strided_slice %while3A_107 {offsets = [1, 0, 0], sizes = [63, 64, 128], strides = [1, 1, 1]} : vector<64x64x128xi32> to vector<63x64x128xi32>
      %concatenate3A_114 = tpu.concatenate %slice3A_113, %broadcast_in_dim3A_110 in 0 : vector<63x64x128xi32>, vector<1x64x128xi32> -> vector<64x64x128xi32>
      %max3A_115 = arith.maxsi %max3A_112, %concatenate3A_114 : vector<64x64x128xi32>
      %broadcast_in_dim3A_116 = arith.constant 0 : i32
      %broadcast_in_dim3A_117 = vector.broadcast %broadcast_in_dim3A_116 : i32 to vector<64x1x128xi32>
      %slice3A_118 = vector.extract_strided_slice %while3A_107 {offsets = [0, 0, 0], sizes = [64, 63, 128], strides = [1, 1, 1]} : vector<64x64x128xi32> to vector<64x63x128xi32>
      %concatenate3A_119 = tpu.concatenate %broadcast_in_dim3A_117, %slice3A_118 in 1 : vector<64x1x128xi32>, vector<64x63x128xi32> -> vector<64x64x128xi32>
      %max3A_120 = arith.maxsi %max3A_115, %concatenate3A_119 : vector<64x64x128xi32>
      %slice3A_121 = vector.extract_strided_slice %while3A_107 {offsets = [0, 1, 0], sizes = [64, 63, 128], strides = [1, 1, 1]} : vector<64x64x128xi32> to vector<64x63x128xi32>
      %concatenate3A_122 = tpu.concatenate %slice3A_121, %broadcast_in_dim3A_117 in 1 : vector<64x63x128xi32>, vector<64x1x128xi32> -> vector<64x64x128xi32>
      %max3A_123 = arith.maxsi %max3A_120, %concatenate3A_122 : vector<64x64x128xi32>
      %roll3A = arith.constant 1 : i32
      %roll3A_124 = tpu.dynamic_rotate %while3A_107 by %roll3A dim 2 : vector<64x64x128xi32>, i32 -> vector<64x64x128xi32>
      %select_n3A_125 = arith.select %ne3A_40, %roll3A_124, %broadcast_in_dim3A_37 : vector<64x64x128xi1>, vector<64x64x128xi32>
      %max3A_126 = arith.maxsi %max3A_123, %select_n3A_125 : vector<64x64x128xi32>
      %roll3A_127 = arith.constant 127 : i32
      %roll3A_128 = tpu.dynamic_rotate %while3A_107 by %roll3A_127 dim 2 : vector<64x64x128xi32>, i32 -> vector<64x64x128xi32>
      %select_n3A_129 = arith.select %ne3A_43, %roll3A_128, %broadcast_in_dim3A_37 : vector<64x64x128xi1>, vector<64x64x128xi32>
      %max3A_130 = arith.maxsi %max3A_126, %select_n3A_129 : vector<64x64x128xi32>
      %select_n3A_131 = arith.select %eq3A, %max3A_130, %while3A_107 : vector<64x64x128xi1>, vector<64x64x128xi32>
      %add3A_132 = arith.constant 1 : i32
      %add3A_133 = arith.addi %while3A_106, %add3A_132 : i32
      %ne3A_134 = arith.cmpi ne, %select_n3A_131, %while3A_107 : vector<64x64x128xi32>
      %reduce_or3A = arith.constant 1.000000e+00 : f32
      %reduce_or3A_135 = arith.constant 0.000000e+00 : f32
      %reduce_or3A_136 = vector.broadcast %reduce_or3A : f32 to vector<64x64x128xf32>
      %reduce_or3A_137 = vector.broadcast %reduce_or3A_135 : f32 to vector<64x64x128xf32>
      %reduce_or3A_138 = arith.select %ne3A_134, %reduce_or3A_136, %reduce_or3A_137 : vector<64x64x128xi1>, vector<64x64x128xf32>
      %reduce_or3A_139 = vector.shape_cast %reduce_or3A_138 : vector<64x64x128xf32> to vector<1x64x64x128xf32>
      %reduce_or3A_140 = arith.constant dense<0xFF800000> : vector<1xf32>
      %reduce_or3A_141 = vector.multi_reduction <maximumf>, %reduce_or3A_139, %reduce_or3A_140 [1, 2, 3] : vector<1x64x64x128xf32> to vector<1xf32>
      %reduce_or3A_142 = vector.shape_cast %reduce_or3A_141 : vector<1xf32> to vector<1x1x1x1xf32>
      %reduce_or3A_143 = vector.extract %reduce_or3A_142[0, 0, 0, 0] : f32 from vector<1x1x1x1xf32>
      %reduce_or3A_144 = arith.constant 0.000000e+00 : f32
      %reduce_or3A_145 = arith.cmpf ogt, %reduce_or3A_143, %reduce_or3A_144 : f32
      scf.yield %add3A_133, %select_n3A_131, %reduce_or3A_145 : i32, vector<64x64x128xi32>, i1
    }
    %while3A_49 = arith.constant 0 : i32
    %while3A_50 = arith.constant true
    %while3A_51:3 = scf.while (%while3A_106 = %while3A_49, %while3A_107 = %while3A_48#1, %while3A_108 = %while3A_50) : (i32, vector<64x64x128xi32>, i1) -> (i32, vector<64x64x128xi32>, i1) {
      %lt3A_109 = arith.constant 8 : i32
      %lt3A_110 = arith.cmpi slt, %while3A_106, %lt3A_109 : i32
      %and3A_111 = arith.andi %lt3A_110, %while3A_108 : i1
      scf.condition(%and3A_111) %while3A_106, %while3A_107, %while3A_108 : i32, vector<64x64x128xi32>, i1
    } do {
    ^bb0(%while3A_106: i32, %while3A_107: vector<64x64x128xi32>, %while3A_108: i1):
      %gt3A = arith.constant 0 : i32
      %gt3A_109 = vector.broadcast %gt3A : i32 to vector<64x64x128xi32>
      %gt3A_110 = arith.cmpi sgt, %while3A_107, %gt3A_109 : vector<64x64x128xi32>
      %broadcast_in_dim3A_111 = arith.constant 0 : i32
      %broadcast_in_dim3A_112 = vector.broadcast %broadcast_in_dim3A_111 : i32 to vector<1x64x128xi32>
      %slice3A = vector.extract_strided_slice %while3A_107 {offsets = [0, 0, 0], sizes = [63, 64, 128], strides = [1, 1, 1]} : vector<64x64x128xi32> to vector<63x64x128xi32>
      %concatenate3A_113 = tpu.concatenate %broadcast_in_dim3A_112, %slice3A in 0 : vector<1x64x128xi32>, vector<63x64x128xi32> -> vector<64x64x128xi32>
      %max3A_114 = arith.maxsi %while3A_107, %concatenate3A_113 : vector<64x64x128xi32>
      %slice3A_115 = vector.extract_strided_slice %while3A_107 {offsets = [1, 0, 0], sizes = [63, 64, 128], strides = [1, 1, 1]} : vector<64x64x128xi32> to vector<63x64x128xi32>
      %concatenate3A_116 = tpu.concatenate %slice3A_115, %broadcast_in_dim3A_112 in 0 : vector<63x64x128xi32>, vector<1x64x128xi32> -> vector<64x64x128xi32>
      %max3A_117 = arith.maxsi %max3A_114, %concatenate3A_116 : vector<64x64x128xi32>
      %broadcast_in_dim3A_118 = arith.constant 0 : i32
      %broadcast_in_dim3A_119 = vector.broadcast %broadcast_in_dim3A_118 : i32 to vector<64x1x128xi32>
      %slice3A_120 = vector.extract_strided_slice %while3A_107 {offsets = [0, 0, 0], sizes = [64, 63, 128], strides = [1, 1, 1]} : vector<64x64x128xi32> to vector<64x63x128xi32>
      %concatenate3A_121 = tpu.concatenate %broadcast_in_dim3A_119, %slice3A_120 in 1 : vector<64x1x128xi32>, vector<64x63x128xi32> -> vector<64x64x128xi32>
      %max3A_122 = arith.maxsi %max3A_117, %concatenate3A_121 : vector<64x64x128xi32>
      %slice3A_123 = vector.extract_strided_slice %while3A_107 {offsets = [0, 1, 0], sizes = [64, 63, 128], strides = [1, 1, 1]} : vector<64x64x128xi32> to vector<64x63x128xi32>
      %concatenate3A_124 = tpu.concatenate %slice3A_123, %broadcast_in_dim3A_119 in 1 : vector<64x63x128xi32>, vector<64x1x128xi32> -> vector<64x64x128xi32>
      %max3A_125 = arith.maxsi %max3A_122, %concatenate3A_124 : vector<64x64x128xi32>
      %roll3A = arith.constant 1 : i32
      %roll3A_126 = tpu.dynamic_rotate %while3A_107 by %roll3A dim 2 : vector<64x64x128xi32>, i32 -> vector<64x64x128xi32>
      %select_n3A_127 = arith.select %ne3A_40, %roll3A_126, %broadcast_in_dim3A_37 : vector<64x64x128xi1>, vector<64x64x128xi32>
      %max3A_128 = arith.maxsi %max3A_125, %select_n3A_127 : vector<64x64x128xi32>
      %roll3A_129 = arith.constant 127 : i32
      %roll3A_130 = tpu.dynamic_rotate %while3A_107 by %roll3A_129 dim 2 : vector<64x64x128xi32>, i32 -> vector<64x64x128xi32>
      %select_n3A_131 = arith.select %ne3A_43, %roll3A_130, %broadcast_in_dim3A_37 : vector<64x64x128xi1>, vector<64x64x128xi32>
      %max3A_132 = arith.maxsi %max3A_128, %select_n3A_131 : vector<64x64x128xi32>
      %select_n3A_133 = arith.select %gt3A_110, %while3A_107, %max3A_132 : vector<64x64x128xi1>, vector<64x64x128xi32>
      %add3A_134 = arith.constant 1 : i32
      %add3A_135 = arith.addi %while3A_106, %add3A_134 : i32
      %ne3A_136 = arith.cmpi ne, %select_n3A_133, %while3A_107 : vector<64x64x128xi32>
      %reduce_or3A = arith.constant 1.000000e+00 : f32
      %reduce_or3A_137 = arith.constant 0.000000e+00 : f32
      %reduce_or3A_138 = vector.broadcast %reduce_or3A : f32 to vector<64x64x128xf32>
      %reduce_or3A_139 = vector.broadcast %reduce_or3A_137 : f32 to vector<64x64x128xf32>
      %reduce_or3A_140 = arith.select %ne3A_136, %reduce_or3A_138, %reduce_or3A_139 : vector<64x64x128xi1>, vector<64x64x128xf32>
      %reduce_or3A_141 = vector.shape_cast %reduce_or3A_140 : vector<64x64x128xf32> to vector<1x64x64x128xf32>
      %reduce_or3A_142 = arith.constant dense<0xFF800000> : vector<1xf32>
      %reduce_or3A_143 = vector.multi_reduction <maximumf>, %reduce_or3A_141, %reduce_or3A_142 [1, 2, 3] : vector<1x64x64x128xf32> to vector<1xf32>
      %reduce_or3A_144 = vector.shape_cast %reduce_or3A_143 : vector<1xf32> to vector<1x1x1x1xf32>
      %reduce_or3A_145 = vector.extract %reduce_or3A_144[0, 0, 0, 0] : f32 from vector<1x1x1x1xf32>
      %reduce_or3A_146 = arith.constant 0.000000e+00 : f32
      %reduce_or3A_147 = arith.cmpf ogt, %reduce_or3A_145, %reduce_or3A_146 : f32
      scf.yield %add3A_135, %select_n3A_133, %reduce_or3A_147 : i32, vector<64x64x128xi32>, i1
    }
    %get3A_52 = arith.constant 0 : index
    %get3A_53 = arith.constant 0 : index
    %get3A_54 = arith.constant 0 : index
    %get3A_55 = arith.constant 0 : index
    %get3A_56 = arith.constant 0 : index
    %get3A_57 = vector.load %arg2[%get3A_52, %get3A_53, %get3A_54, %get3A_55, %get3A_56] : memref<1x2x64x64x64xf32, #tpu.memory_space<vmem>>, vector<1x1x64x64x64xf32>
    %get3A_58 = vector.shape_cast %get3A_57 : vector<1x1x64x64x64xf32> to vector<64x64x64xf32>
    %get3A_59 = arith.constant 0 : index
    %get3A_60 = arith.constant 1 : index
    %get3A_61 = arith.constant 0 : index
    %get3A_62 = arith.constant 0 : index
    %get3A_63 = arith.constant 0 : index
    %get3A_64 = vector.load %arg2[%get3A_59, %get3A_60, %get3A_61, %get3A_62, %get3A_63] : memref<1x2x64x64x64xf32, #tpu.memory_space<vmem>>, vector<1x1x64x64x64xf32>
    %get3A_65 = vector.shape_cast %get3A_64 : vector<1x1x64x64x64xf32> to vector<64x64x64xf32>
    %concatenate3A_66 = tpu.concatenate %get3A_58, %get3A_65 in 2 : vector<64x64x64xf32>, vector<64x64x64xf32> -> vector<64x64x128xf32>
    %logistic3A = arith.negf %concatenate3A_66 : vector<64x64x128xf32>
    %logistic3A_67 = math.exp %logistic3A : vector<64x64x128xf32>
    %logistic3A_68 = arith.constant 1.000000e+00 : f32
    %logistic3A_69 = vector.broadcast %logistic3A_68 : f32 to vector<64x64x128xf32>
    %logistic3A_70 = arith.addf %logistic3A_69, %logistic3A_67 : vector<64x64x128xf32>
    %logistic3A_71 = arith.divf %logistic3A_69, %logistic3A_70 : vector<64x64x128xf32>
    %max3A = arith.constant 9.99999968E-21 : f32
    %max3A_72 = vector.broadcast %max3A : f32 to vector<64x64x128xf32>
    %max3A_73 = arith.maximumf %logistic3A_71, %max3A_72 : vector<64x64x128xf32>
    %convert_element_type3A_74 = arith.extui %eq3A : vector<64x64x128xi1> to vector<64x64x128xi32>
    %convert_element_type3A_75 = arith.sitofp %convert_element_type3A_74 : vector<64x64x128xi32> to vector<64x64x128xf32>
    %sub3A = arith.constant 1 : i32
    %sub3A_76 = vector.broadcast %sub3A : i32 to vector<64x64x128xi32>
    %sub3A_77 = arith.subi %add3A_8, %sub3A_76 : vector<64x64x128xi32>
    %mul3A_78 = arith.constant 262400 : i32
    %mul3A_79 = vector.broadcast %mul3A_78 : i32 to vector<64x64x128xi32>
    %mul3A_80 = arith.muli %sub3A_77, %mul3A_79 : vector<64x64x128xi32>
    %add3A_81 = arith.addi %while3A_51#1, %mul3A_80 : vector<64x64x128xi32>
    %swap3A = arith.constant 0 : index
    %swap3A_82 = arith.constant 0 : index
    %swap3A_83 = arith.constant 0 : index
    %swap3A_84 = arith.constant 0 : index
    %swap3A_85 = vector.load %arg3[%swap3A, %swap3A_82, %swap3A_83, %swap3A_84] : memref<1x64x64x128xi32, #tpu.memory_space<vmem>>, vector<1x64x64x128xi32>
    %swap3A_86 = vector.shape_cast %swap3A_85 : vector<1x64x64x128xi32> to vector<64x64x128xi32>
    %swap3A_87 = vector.shape_cast %add3A_81 : vector<64x64x128xi32> to vector<1x64x64x128xi32>
    tpu.vector_store %arg3[%swap3A, %swap3A_82, %swap3A_83, %swap3A_84], %swap3A_87 {strides = array<i32>} : memref<1x64x64x128xi32, #tpu.memory_space<vmem>>, vector<1x64x64x128xi32>,
    %mul3A_88 = arith.mulf %max3A_73, %convert_element_type3A_75 : vector<64x64x128xf32>
    %swap3A_89 = arith.constant 0 : index
    %swap3A_90 = arith.constant 0 : index
    %swap3A_91 = arith.constant 0 : index
    %swap3A_92 = arith.constant 0 : index
    %swap3A_93 = arith.constant 0 : index
    %swap3A_94 = vector.load %arg4[%swap3A_89, %swap3A_90, %swap3A_91, %swap3A_92, %swap3A_93] : memref<1x2x64x64x128xf32, #tpu.memory_space<vmem>>, vector<1x1x64x64x128xf32>
    %swap3A_95 = vector.shape_cast %swap3A_94 : vector<1x1x64x64x128xf32> to vector<64x64x128xf32>
    %swap3A_96 = vector.shape_cast %mul3A_88 : vector<64x64x128xf32> to vector<1x1x64x64x128xf32>
    tpu.vector_store %arg4[%swap3A_89, %swap3A_90, %swap3A_91, %swap3A_92, %swap3A_93], %swap3A_96 {strides = array<i32>} : memref<1x2x64x64x128xf32, #tpu.memory_space<vmem>>, vector<1x1x64x64x128xf32>,
    %add3A_97 = arith.addf %max3A_73, %convert_element_type3A_75 : vector<64x64x128xf32>
    %swap3A_98 = arith.constant 0 : index
    %swap3A_99 = arith.constant 1 : index
    %swap3A_100 = arith.constant 0 : index
    %swap3A_101 = arith.constant 0 : index
    %swap3A_102 = arith.constant 0 : index
    %swap3A_103 = vector.load %arg4[%swap3A_98, %swap3A_99, %swap3A_100, %swap3A_101, %swap3A_102] : memref<1x2x64x64x128xf32, #tpu.memory_space<vmem>>, vector<1x1x64x64x128xf32>
    %swap3A_104 = vector.shape_cast %swap3A_103 : vector<1x1x64x64x128xf32> to vector<64x64x128xf32>
    %swap3A_105 = vector.shape_cast %add3A_97 : vector<64x64x128xf32> to vector<1x1x64x64x128xf32>
    tpu.vector_store %arg4[%swap3A_98, %swap3A_99, %swap3A_100, %swap3A_101, %swap3A_102], %swap3A_105 {strides = array<i32>} : memref<1x2x64x64x128xf32, #tpu.memory_space<vmem>>, vector<1x1x64x64x128xf32>,
    return
  }
  func.func @transform_0(%arg0: i32) -> (i32, i32, i32, i32) {
    %c0_i32 = arith.constant 0 : i32
    %c0_i32_0 = arith.constant 0 : i32
    %c0_i32_1 = arith.constant 0 : i32
    %c0_i32_2 = arith.constant 0 : i32
    return %arg0, %c0_i32, %c0_i32_0, %c0_i32_1 : i32, i32, i32, i32
  }
  func.func @transform_1(%arg0: i32) -> (i32, i32, i32, i32, i32) {
    %c0_i32 = arith.constant 0 : i32
    %c0_i32_0 = arith.constant 0 : i32
    %c0_i32_1 = arith.constant 0 : i32
    %c0_i32_2 = arith.constant 0 : i32
    %c0_i32_3 = arith.constant 0 : i32
    return %arg0, %c0_i32, %c0_i32_0, %c0_i32_1, %c0_i32_2 : i32, i32, i32, i32, i32
  }
  func.func @transform_2(%arg0: i32) -> (i32, i32, i32, i32) {
    %c0_i32 = arith.constant 0 : i32
    %c0_i32_0 = arith.constant 0 : i32
    %c0_i32_1 = arith.constant 0 : i32
    %c0_i32_2 = arith.constant 0 : i32
    return %arg0, %c0_i32, %c0_i32_0, %c0_i32_1 : i32, i32, i32, i32
  }
  func.func @transform_3(%arg0: i32) -> (i32, i32, i32, i32, i32) {
    %c0_i32 = arith.constant 0 : i32
    %c0_i32_0 = arith.constant 0 : i32
    %c0_i32_1 = arith.constant 0 : i32
    %c0_i32_2 = arith.constant 0 : i32
    %c0_i32_3 = arith.constant 0 : i32
    return %arg0, %c0_i32, %c0_i32_0, %c0_i32_1, %c0_i32_2 : i32, i32, i32, i32, i32
  }
}

module attributes {stable_mosaic.version = 14 : i64} {
  func.func @_reduce_kernel(%arg0: memref<8x262400xf32, #tpu.memory_space<vmem>>, %arg1: memref<1x1xf32, #tpu.memory_space<vmem>>) attributes {dimension_semantics = [], scalar_prefetch = 0 : i64, scratch_operands = 0 : i64, tpu.core_type = #tpu.core_type<tc>} {
    %get3A = arith.constant 0 : index
    %get3A_0 = arith.constant 0 : index
    %get3A_1 = vector.load %arg0[%get3A, %get3A_0] : memref<8x262400xf32, #tpu.memory_space<vmem>>, vector<4x262400xf32>
    %get3A_2 = arith.constant 4 : index
    %get3A_3 = arith.constant 0 : index
    %get3A_4 = vector.load %arg0[%get3A_2, %get3A_3] : memref<8x262400xf32, #tpu.memory_space<vmem>>, vector<4x262400xf32>
    %gt3A = arith.constant 0.000000e+00 : f32
    %gt3A_5 = vector.broadcast %gt3A : f32 to vector<4x262400xf32>
    %gt3A_6 = arith.cmpf ogt, %get3A_4, %gt3A_5 : vector<4x262400xf32>
    %convert_element_type3A = arith.extui %gt3A_6 : vector<4x262400xi1> to vector<4x262400xi32>
    %convert_element_type3A_7 = arith.sitofp %convert_element_type3A : vector<4x262400xi32> to vector<4x262400xf32>
    %mul3A = arith.constant 2.000000e+00 : f32
    %mul3A_8 = vector.broadcast %mul3A : f32 to vector<4x262400xf32>
    %mul3A_9 = arith.mulf %mul3A_8, %get3A_1 : vector<4x262400xf32>
    %add3A = arith.constant 9.99999974E-6 : f32
    %add3A_10 = vector.broadcast %add3A : f32 to vector<4x262400xf32>
    %add3A_11 = arith.addf %mul3A_9, %add3A_10 : vector<4x262400xf32>
    %add3A_12 = arith.constant 9.99999974E-6 : f32
    %add3A_13 = vector.broadcast %add3A_12 : f32 to vector<4x262400xf32>
    %add3A_14 = arith.addf %get3A_4, %add3A_13 : vector<4x262400xf32>
    %div3A = arith.divf %add3A_11, %add3A_14 : vector<4x262400xf32>
    %mul3A_15 = arith.mulf %div3A, %convert_element_type3A_7 : vector<4x262400xf32>
    %reduce_sum3A = arith.constant dense<0.000000e+00> : vector<4xf32>
    %reduce_sum3A_16 = vector.multi_reduction <add>, %mul3A_15, %reduce_sum3A [1] : vector<4x262400xf32> to vector<4xf32>
    %broadcast_in_dim3A = vector.shape_cast %reduce_sum3A_16 : vector<4xf32> to vector<4x1xf32>
    %reduce_sum3A_17 = arith.constant dense<0.000000e+00> : vector<4xf32>
    %reduce_sum3A_18 = vector.multi_reduction <add>, %convert_element_type3A_7, %reduce_sum3A_17 [1] : vector<4x262400xf32> to vector<4xf32>
    %broadcast_in_dim3A_19 = vector.shape_cast %reduce_sum3A_18 : vector<4xf32> to vector<4x1xf32>
    %max3A = arith.constant 1.000000e+00 : f32
    %max3A_20 = vector.broadcast %max3A : f32 to vector<4x1xf32>
    %max3A_21 = arith.maximumf %broadcast_in_dim3A_19, %max3A_20 : vector<4x1xf32>
    %div3A_22 = arith.divf %broadcast_in_dim3A, %max3A_21 : vector<4x1xf32>
    %reduce_sum3A_23 = vector.shape_cast %div3A_22 : vector<4x1xf32> to vector<1x4x1xf32>
    %reduce_sum3A_24 = arith.constant dense<0.000000e+00> : vector<1xf32>
    %reduce_sum3A_25 = vector.multi_reduction <add>, %reduce_sum3A_23, %reduce_sum3A_24 [1, 2] : vector<1x4x1xf32> to vector<1xf32>
    %reduce_sum3A_26 = vector.shape_cast %reduce_sum3A_25 : vector<1xf32> to vector<1x1x1xf32>
    %reduce_sum3A_27 = vector.extract %reduce_sum3A_26[0, 0, 0] : f32 from vector<1x1x1xf32>
    %mul3A_28 = arith.constant 2.500000e-01 : f32
    %mul3A_29 = arith.mulf %reduce_sum3A_27, %mul3A_28 : f32
    %sub3A = arith.constant 1.000000e+00 : f32
    %sub3A_30 = arith.subf %sub3A, %mul3A_29 : f32
    %broadcast_in_dim3A_31 = vector.broadcast %sub3A_30 : f32 to vector<1x1xf32>
    %swap3A = arith.constant 0 : index
    %swap3A_32 = arith.constant 0 : index
    %swap3A_33 = vector.load %arg1[%swap3A, %swap3A_32] : memref<1x1xf32, #tpu.memory_space<vmem>>, vector<1x1xf32>
    tpu.vector_store %arg1[%swap3A, %swap3A_32], %broadcast_in_dim3A_31 {strides = array<i32>} : memref<1x1xf32, #tpu.memory_space<vmem>>, vector<1x1xf32>,
    return
  }
}

</mosaic_0001>

<sc_bundles>
// kernel: kernel.5.cloned.1.call-start
scs
__scs_entry_jumppad:
0x0: {  	(pc) =	sbr.rel $0x88, $3  }
0x1: {  	(tag) =	ssettag $0x0;
	lr =	simm.s32 $0x1  }
0x2: {  	[smem:$0x3F9F] =	sst lr;
	_ =	strace $0xD0000000  }
0x3: {  	_ = 	snop  }
0x4: {  	_ = 	snop  }
0x5: {  	_ = 	snop  }
0x6: {  	_ = 	snop  }
0x7: {  	_ = 	snop  }
__scs_overlays_trampoline_lowered:
0x8: {  	[smem:$0x3FAE] =	sst s0  }
0x9: {  	[smem:$0x3FAF] =	sst s1  }
0xa: {  	[smem:$0x3FB0] =	sst s2  }
0xb: {  	[smem:$0x3FB1] =	sst s3  }
0xc: {  	[smem:$0x3FB2] =	sst s4  }
0xd: {  	[smem:$0x3FB3] =	sst s5  }
0xe: {  	[smem:$0x3FB4] =	sst s6  }
0xf: {  	[smem:$0x3FB5] =	sst s7  }
0x10: {  	[smem:$0x3FB6] =	sst s8  }
0x11: {  	[smem:$0x3FB7] =	sst s9;
	s0 =	simm.s32 @!p0 $0x0  }
0x12: {  	s1 =	sld [smem:$0x3F9D];
	s0 =	simm.s32 @p0 $0x1  }
0x13: {  	[smem:$0x3FB8] =	sst s0;
	s0 =	simm.s32 @!p1 $0x0  }
0x14: {  	s2 =	sld [smem:$0x3F9C];
	s0 =	simm.s32 @p1 $0x1  }
0x15: {  	[smem:$0x3FB9] =	sst s0;
	s0 =	simm.s32 @!p2 $0x0  }
0x16: {  	s3 =	sld [smem:$0x3FDB];
	s0 =	simm.s32 @p2 $0x1  }
0x17: {  	s4 =	simm.s32 $0x1BF5;
	[smem:$0x3FBB] =	sst s0  }
0x18: {  	s0 =	sld [smem:$0x3F9E];
	_ =	swait.ge [sflag:s4], $0x0  }
0x19: {  	s7 =	sld [smem:$0x3F9F]  }
0x1a: {  	s8 =	sadd.s32 $0xFFFFE003, lr  }
0x1b: {  	s9 =	sadd.s32 $0xFFFFFEF7, lr;
	s5 =	simm.s32 $0xFFFFFFFF;
	p2 =	slt.u32 s8, $0xFFFFF086  }
0x1c: {  	p1 =	slt.u32 s9, $0xF7A;
	s5 =	simm.s32 @!p2 $0x0  }
0x1d: {  	s5 =	simm.s32 @p1 $0x1;
	p0 =	seq.s32 s7, s2  }
0x1e: {  	s7 =	smul.u32 @!p0 $0xF7A, s2;
	p2 =	seq.s32 @!p0 s5, $0x0  }
0x1f: {  	s9 =	smul.u32 $0xF7A, s1;
	s8 =	simm.s32 @!p0 $0x1BF5;
	p2 =	por !p2, p0  }
0x20: {  	[sflag:s8] =	ssyncset.s32 @!p0 $0xFFFFF086;
	s6 =	sadd.s32 @!p0 s3, s7;
	s7 =	simm.s32 @!p0 $0x108  }
0x21: {  	s3 =	sadd.s32 s3, s9;
	s6 =	sadd.s32 @!p0 $0x88, s6;
	s7 =	simm.s32 @p2 $0x1082  }
0x22: {  	[simem:s7], [sflag:s8] =	dma.local @!p0 [hbm:s6], $0xF7A  }
0x23: {  	s9 =	sor.u32 $0xD0000000, s2;
	s6 =	simm.s32 $0x108;
	_ =	swait.ge @!p0 [sflag:s8], $0x0  }
0x24: {  	s3 =	sadd.s32 $0x88, s3;
	s6 =	simm.s32 @!p1 $0x1082;
	[sflag:s4] =	ssyncset.s32 $0xFFFFF086  }
0x25: {  	[simem:s6], [sflag:s4] =	dma.local [hbm:s3], $0xF7A  }
0x26: {  	[smem:$0x3F9F] =	sst s1;
	(tag) =	ssettag s2;
	_ =	strace s9  }
0x27: {  	s1 =	sld [smem:$0x3FAF]  }
0x28: {  	s2 =	sld [smem:$0x3FB0]  }
0x29: {  	s4 =	sld [smem:$0x3FB2]  }
0x2a: {  	p0 =	seq.s32 s5, $0x0;
	s5 =	sld [smem:$0x3FB3]  }
0x2b: {  	s6 =	sld [smem:$0x3FB4]  }
0x2c: {  	s7 =	sld [smem:$0x3FB5]  }
0x2d: {  	s3 =	simm.s32 $0x108;
	s8 =	sld [smem:$0x3FB6]  }
0x2e: {  	s3 =	simm.s32 @!p0 $0x1082;
	s9 =	sld [smem:$0x3FB7]  }
0x2f: {  	lr =	sadd.s32 s0, s3;
	s0 =	sld [smem:$0x3FAE]  }
0x30: {  	s3 =	sld [smem:$0x3FB1]  }
0x31: {  	[smem:$0x3FBA] =	sst s10  }
0x32: {  	s10 =	sld [smem:$0x3FB8];
	_ =	sdelay $0x3  }
0x33: {  	p0 =	seq.s32 s10, $0x1;
	s10 =	sld [smem:$0x3FBA];
	_ =	sdelay $0x3  }
0x34: {  	[smem:$0x3FBA] =	sst s10  }
0x35: {  	s10 =	sld [smem:$0x3FB9];
	_ =	sdelay $0x3  }
0x36: {  	p1 =	seq.s32 s10, $0x1;
	s10 =	sld [smem:$0x3FBA];
	_ =	sdelay $0x3  }
0x37: {  	[smem:$0x3FBA] =	sst s10  }
0x38: {  	s10 =	sld [smem:$0x3FBB]  }
0x39: {  	_ = 	snop;
	(pc) =	sbr.ind lr, $3  }
0x3a: {  	_ = 	snop  }
0x3b: {  	_ = 	snop  }
0x3c: {  	p2 =	seq.s32 s10, $0x1;
	s10 =	sld [smem:$0x3FBA]  }
0x3d: {  	_ =	shalt  }
0x3e: {  	_ =	shalt  }
0x3f: {  	_ =	shalt  }
0x40: {  	_ =	shalt  }
0x41: {  	_ =	shalt  }
0x42: {  	_ =	shalt  }
0x43: {  	_ =	shalt  }
0x44: {  	_ =	shalt  }
0x45: {  	_ =	shalt  }
0x46: {  	_ =	shalt  }
0x47: {  	_ =	shalt  }
0x48: {  	_ =	shalt  }
0x49: {  	_ =	shalt  }
0x4a: {  	_ =	shalt  }
0x4b: {  	_ =	shalt  }
0x4c: {  	_ =	shalt  }
0x4d: {  	_ =	shalt  }
0x4e: {  	_ =	shalt  }
0x4f: {  	_ =	shalt  }
0x50: {  	_ =	shalt  }
0x51: {  	_ =	shalt  }
0x52: {  	_ =	shalt  }
0x53: {  	_ =	shalt  }
0x54: {  	_ =	shalt  }
0x55: {  	_ =	shalt  }
0x56: {  	_ =	shalt  }
0x57: {  	_ =	shalt  }
0x58: {  	_ =	shalt  }
0x59: {  	_ =	shalt  }
0x5a: {  	_ =	shalt  }
0x5b: {  	_ =	shalt  }
0x5c: {  	_ =	shalt  }
0x5d: {  	_ =	shalt  }
0x5e: {  	_ =	shalt  }
0x5f: {  	_ =	shalt  }
0x60: {  	_ =	shalt  }
0x61: {  	_ =	shalt  }
0x62: {  	_ =	shalt  }
0x63: {  	_ =	shalt  }
0x64: {  	_ =	shalt  }
0x65: {  	_ =	shalt  }
0x66: {  	_ =	shalt  }
0x67: {  	_ =	shalt  }
0x68: {  	_ =	shalt  }
0x69: {  	_ =	shalt  }
0x6a: {  	_ =	shalt  }
0x6b: {  	_ =	shalt  }
0x6c: {  	_ =	shalt  }
0x6d: {  	_ =	shalt  }
0x6e: {  	_ =	shalt  }
0x6f: {  	_ =	shalt  }
0x70: {  	_ =	shalt  }
0x71: {  	_ =	shalt  }
0x72: {  	_ =	shalt  }
0x73: {  	_ =	shalt  }
0x74: {  	_ =	shalt  }
0x75: {  	_ =	shalt  }
0x76: {  	_ =	shalt  }
0x77: {  	_ =	shalt  }
0x78: {  	_ =	shalt  }
0x79: {  	_ =	shalt  }
0x7a: {  	_ =	shalt  }
0x7b: {  	_ =	shalt  }
0x7c: {  	_ =	shalt  }
0x7d: {  	_ =	shalt  }
0x7e: {  	_ =	shalt  }
0x7f: {  	_ =	shalt  }
0x80: {  	_ =	shalt  }
0x81: {  	_ =	shalt  }
0x82: {  	_ =	shalt  }
0x83: {  	_ =	shalt  }
0x84: {  	_ =	shalt  }
0x85: {  	_ =	shalt  }
0x86: {  	_ =	shalt  }
0x87: {  	_ =	shalt  }
.Lfunc_end0:
.L_simem_size_0:
called_computation_lowered:
.L_overlay_start_0:
0x88: {  	s2 =	sld [smem:$0x3FD9]  }
0x89: {  	s3 =	sld [smem:$0x3FFE];
	_ =	sdelay $0x1  }
0x8a: {  	s1 =	srdreg.scid  }
0x8b: {  	s0 =	sand.u32 $0x1, s1  }
0x8c: {  	s16 =	sshll.u32 s0, $0xA;
	s2 =	sadd.s32 s3, s2  }
0x8d: {  	s2 =	sadd.s32 s2, s16  }
0x8e: {  	[smem:$0x3FC6] =	sst s2  }
0x8f: {  	_ = 	snop  }
0x90: {  	(tm) =	ssettm $0x1  }
0x91: {  	s17 =	sld [smem:$0x3FFB];
	_ =	sdelay $0x3  }
0x92: {  	_ =	strace s17  }
0x93: {  	s2 =	sld [smem:$0x3FFC];
	_ =	sdelay $0x3  }
0x94: {  	_ =	strace s2  }
0x95: {  	s2 =	sld [smem:$0x3FFD];
	_ =	sdelay $0x3  }
0x96: {  	_ =	strace s2  }
0x97: {  	_ =	strace $0x8FFFFFFF  }
0x98: {  	s18 =	sld [smem:$0x3FDB];
	_ =	sdelay $0x1  }
0x99: {  	s19 =	simm.s32 $_scs_section_size  }
0x9a: {  	s4 =	simm.s32 $_size__tile_overlayer_lowered;
	s5 =	simm.s32 $_tile_overlayer_lowered  }
0x9b: {  	s22 =	simm.s32 $0x1BFF;
	s21 =	sshll.u32 s5, $0x1;
	s2 =	sadd.s32 s19, s18  }
0x9c: {  	s6 =	simm.s32 $0x0;
	s20 =	sshll.u32 s4, $0x1;
	s4 =	sadd.s32 s21, s2  }
0x9d: {  	[timem:s6], [sflag:s22] =	dma.local [hbm:s4], s20  }
0x9e: {  	_ =	swait.ge [sflag:s22], s20  }
0x9f: {  	s3 =	ssub.s32 $0x0, s20;
	[sflag:s22] =	ssyncset.done $0x0  }
0xa0: {  	[sflag:s22] =	ssyncadd.s32 s3;
	_ =	sdelay $0x1  }
0xa1: {  	s23 =	simm.s32 $0x1B8B  }
0xa2: {  	_ =	swait.ge [sflag:s23], $0x1  }
0xa3: {  	[sflag:s23] =	ssyncset.done $0x0  }
0xa4: {  	s25 =	simm.s32 $0x1B8E;
	s24 =	sld [smem:$0x3FFE];
	[sflag:s23] =	ssyncadd.s32 $0xFFFFFFFF  }
0xa5: {  	s26 =	simm.s32 $execute0_lowered;
	[smem:$0x3FD2] =	sst s25  }
0xa6: {  	s4 =	sshll.u32 s26, $0x1;
	_ =	strace $0x80000046;
	[dreg:$0x1] =	wrdreg $0xFFFFFFFF  }
0xa7: {  	s28 =	simm.s32 $_size_execute0_lowered;
	s2 =	sadd.s32 s2, s4;
	[dreg:$0x0] =	wrdreg $0x0  }
0xa8: {  	s4 =	sshll.u32 s28, $0x1;
	[dreg:$0x2] =	wrdreg s2  }
0xa9: {  	[dreg:$0x3] =	wrdreg s4  }
0xaa: {  	[dreg:$0x4] =	wrdreg $0xC0  }
0xab: {  	_ =	task [dreg:s6], $0x5FFFF  }
0xac: {  	[dreg:$0x1] =	wrdreg $0xFFFFFFFF  }
0xad: {  	[dreg:$0x0] =	wrdreg $0x60  }
0xae: {  	[dreg:$0x2] =	wrdreg s24  }
0xaf: {  	[dreg:$0x3] =	wrdreg $0x141000  }
0xb0: {  	[dreg:$0x4] =	wrdreg $0x9  }
0xb1: {  	_ =	task.clear_ibuf [dreg:s6], $0x5FFFF;
	_ =	strace $0x90000046  }
0xb2: {  	s29 =	simm.s32 $0x9;
	_ =	strace $0x80000048  }
0xb3: {  	_ =	swait.ge [sflag:s29], $0x1  }
0xb4: {  	[sflag:s29] =	ssyncadd.s32 $0xFFFFFFFF  }
0xb5: {  	_ =	strace $0x90000048  }
0xb6: {  	_ =	sfence  }
0xb7: {  	s30 =	sld [smem:$0x0];
	_ =	sdelay $0x2  }
0xb8: {  	s31 =	sshll.u32 s1, $0xD;
	s1 =	sshrl.u32 s1, $0x2  }
0xb9: {  	s3 =	sand.u32 $0x4000, s31;
	s1 =	sadd.s32 s1, s30  }
0xba: {  	s0 =	sor.u32 s3, s0;
	s1 =	sshll.u32 s1, $0x11  }
0xbb: {  	s0 =	sor.u32 s1, s0  }
0xbc: {  	s0 =	sadd.s32 $0x8F2B, s0  }
0xbd: {  	[sflag:s0] =	ssyncadd.remote.s32 $0x1  }
0xbe: {  	_ =	sfence.sel $0xFFFF  }
0xbf: {  	[dreg:$0x0] =	wrdreg $0xFFFFFFFF;
	(pc) =	sbr.abs _section_cstart, $3  }
0xc0: {  	[dreg:$0x1] =	wrdreg $0xFFFFFFFF  }
0xc1: {  	_ =	task.clear_ibuf [dreg:s6], $0x2FFFF;
	_ =	strace $0x9FFFFFFF  }
0xc2: {  	(tm) =	ssettm $0x7FFFFFFF  }
0xc3: {  	_ =	shalt  }
tec
execute0_lowered:
.L_overlay_start_1:
0x0: {  	(tag) =	ssettag $0x1  }
0x1: {  	s0 =	rddreg [dreg:$0x0]  }
0x2: {  	s1 =	rddreg [dreg:$0x1]  }
0x3: {  	s3 =	simm.s32 $0x0;
	s2 =	srdreg.scid;
	s8 =	stileid.u32  }
0x4: {  	s28 =	simm.s32 $0xC000;
	s29 =	simm.s32 $0x7;
	s30 =	simm.s32 $0x5  }
0x5: {  	s31 =	simm.s32 $0xA000;
	[smem:$0x7FF] =	sst s3;
	s2 =	sand.u32 $0x1, s2  }
0x6: {  	s5 =	sshll.u32 s8, $0xF;
	s12 =	smul.u32 $0x8020, s8;
	s4 =	sshll.u32 s2, $0x13  }
0x7: {  	s6 =	sshll.u32 s2, $0x14;
	_ =	strace $0x80000047;
	s11 =	ssub.s32 $0x2, s2  }
0x8: {  	s2 =	smul.u32 $0x80200, s2;
	s4 =	sor.u32 s5, s4;
	s5 =	sor.u32 s5, s6  }
0x9: {  	s7 =	sshrl.u32 s11, $0x1;
	s20 =	sadd.s32 $0x4010, s12;
	s9 =	sadd.s32 s12, s1  }
0xa: {  	s4 =	sshrl.u32 s4, $0x3;
	s5 =	sshrl.u32 s5, $0x3;
	s6 =	ssub.s32 s11, s7  }
0xb: {  	s10 =	sadd.s32 s20, s1;
	s24 =	sadd.s32 s12, s2;
	s11 =	sadd.s32 s2, s20  }
0xc: {  	s2 =	sadd.s32 $0x100400, s2;
	s4 =	sadd.s32 s4, s0;
	s5 =	sadd.s32 s5, s0  }
0xd: {  	s0 =	sadd.s32 $0x60C00, s0;
	s8 =	sshrl.u32 s24, $0x3;
	s25 =	sshrl.u32 s11, $0x3  }
0xe: {  	s7 =	sadd.s32 s12, s2;
	s2 =	sadd.s32 s20, s2;
	s24 =	simm.s32 $0x4000  }
0xf: {  	s17 =	sadd.s32 $0x40C00, s4;
	s18 =	sadd.s32 $0x41000, s4;
	s19 =	sadd.s32 $0x41400, s4  }
0x10: {  	s4 =	sadd.s32 $0x41800, s4;
	s21 =	sadd.s32 $0xC00, s5;
	[dreg:$0x3] =	wrdreg s17  }
0x11: {  	s22 =	sadd.s32 $0x1000, s5;
	s23 =	sadd.s32 $0x1400, s5;
	[dreg:$0x4] =	wrdreg s18  }
0x12: {  	s13 =	sadd.s32 $0x1800, s5;
	s14 =	sadd.s32 $0x10C00, s5;
	[dreg:$0x5] =	wrdreg s19  }
0x13: {  	s15 =	sadd.s32 s0, s8;
	s16 =	sadd.s32 s0, s25;
	[dreg:$0x6] =	wrdreg s4  }
0x14: {  	s26 =	sshrl.u32 s7, $0x3;
	s2 =	sshrl.u32 s2, $0x3;
	[dreg:$0x7] =	wrdreg s21  }
0x15: {  	s25 =	simm.s32 $0x6000;
	s7 =	simm.s32 $0x10080;
	[dreg:$0x8] =	wrdreg s22  }
0x16: {  	s8 =	simm.s32 $0x0;
	[dreg:$0x9] =	wrdreg s23;
	s17 =	sadd.s32 $0x11000, s5  }
0x17: {  	s18 =	sadd.s32 $0x11400, s5;
	s19 =	sadd.s32 $0x11800, s5;
	s20 =	sadd.s32 s0, s26  }
0x18: {  	s21 =	sadd.s32 s0, s2;
	s22 =	smax.u32 s6, $0x1;
	s23 =	simm.s32 $0x2000  }
0x19: {  	s26 =	simm.s32 $0x8000;
	s0 =	simm.s32 $0x1;
	s2 =	simm.s32 $0x6  }
0x1a: {  	v0 =	vimm.f32 $0.0e+00;
	s4 =	simm.s32 $0x2;
	s5 =	simm.s32 $0x3;
	s6 =	simm.s32 $0x4  }
.LBB2_1:
0x1b: {  	s11 =	rddreg [dreg:$0x3]  }
0x1c: {  	[tilespmem:s3], [sflag:$0x1] =	stream.linear.gather [hbm4b:s11+s3], $0x2000, $0x38;
	[tilespmem:$0x1C120] =	vst v63  }
0x1d: {  	s12 =	rddreg [dreg:$0x4]  }
0x1e: {  	[tilespmem:s23], [sflag:$0x2] =	stream.linear.gather [hbm4b:s12+s3], $0x2000, $0x38;
	[tilespmem:$0x1C120] =	vst v63  }
0x1f: {  	s12 =	rddreg [dreg:$0x5]  }
0x20: {  	[tilespmem:s24], [sflag:$0x3] =	stream.linear.gather [hbm4b:s12+s3], $0x2000, $0x38;
	[tilespmem:$0x1C120] =	vst v63  }
0x21: {  	s12 =	rddreg [dreg:$0x6]  }
0x22: {  	[tilespmem:s25], [sflag:$0x4] =	stream.linear.gather [hbm4b:s12+s3], $0x2000, $0x38;
	[tilespmem:$0x1C120] =	vst v63  }
0x23: {  	s12 =	rddreg [dreg:$0x7]  }
0x24: {  	[tilespmem:s26], [sflag:$0x5] =	stream.linear.gather [hbm4b:s12+s3], $0x2000, $0x38;
	[tilespmem:$0x1C120] =	vst v63  }
0x25: {  	s11 =	simm.s32 $0x40;
	s12 =	simm.s32 $0x0  }
.LBB2_2:
0x26: {  	p0 =	sne.s32 s11, $0x10000;
	[tilespmem:s12+$0xC000] =	vst v0;
	s12 =	smov.u32 s11;
	s11 =	sadd.s32 $0x40, s11  }
.Ltmp0:
0x27: {  	(pc) =	sbr.rel @p0 .LBB2_2-.Ltmp0, $2  }
0x28: {  	_ =	sdelay $0x2  }
0x29: {  	s12 =	sshra.s32 s12, $0x2  }
0x2a: {  	[tilespmem:s12+$0xC000] =	vst v0  }
0x2b: {  	[spmem:s9] =	stream.linear.scatter [tilespmem:s28], [sflag:$0x7], $0x4010, $0x38;
	[tilespmem:$0x1C120] =	vst v63  }
0x2c: {  	_ =	swait.ge [sflag:s29], $0x4010  }
0x2d: {  	[sflag:s29] =	ssyncset.done $0x0  }
0x2e: {  	[sflag:s29] =	ssyncadd.s32 $0xFFFFBFF0  }
0x2f: {  	[spmem:s10] =	stream.linear.scatter [tilespmem:s28], [sflag:$0x7], $0x4010, $0x38;
	[tilespmem:$0x1C120] =	vst v63  }
0x30: {  	_ =	swait.ge [sflag:s29], $0x4010  }
0x31: {  	[sflag:s29] =	ssyncset.done $0x0  }
0x32: {  	[sflag:s29] =	ssyncadd.s32 $0xFFFFBFF0  }
0x33: {  	[bflag:$0x0] =	sbarrier.arrive $0xFFFF  }
0x34: {  	_ =	swait.ge [sflag:s30], $0x2000  }
0x35: {  	[sflag:s30] =	ssyncset.done $0x0  }
0x36: {  	s11 =	rddreg [dreg:$0x8];
	[sflag:s30] =	ssyncadd.s32 $0xFFFFE000  }
0x37: {  	[tilespmem:s31], [sflag:$0x6] =	stream.linear.gather [hbm4b:s11+s3], $0x2000, $0x38;
	[tilespmem:$0x1C120] =	vst v63  }
0x38: {  	_ =	swait.ge [sflag:s0], $0x2000  }
0x39: {  	[sflag:s0] =	ssyncset.done $0x0  }
0x3a: {  	[sflag:s0] =	ssyncadd.s32 $0xFFFFE000  }
0x3b: {  	[spmem:s1] =	stream.indirect.scatter.add.f32 [tilespmem:s26], [sflag:$0x7], $0x1, s3, s23, $0xb8;
	[tilespmem:$0x1C120] =	vst v63  }
0x3c: {  	_ =	swait.ge [sflag:s29], $0x2000  }
0x3d: {  	[sflag:s29] =	ssyncset.done $0x0  }
0x3e: {  	[sflag:s29] =	ssyncadd.s32 $0xFFFFE000  }
0x3f: {  	_ =	swait.ge [sflag:s2], $0x2000  }
0x40: {  	[sflag:s2] =	ssyncset.done $0x0  }
0x41: {  	s12 =	rddreg [dreg:$0x9];
	[sflag:s2] =	ssyncadd.s32 $0xFFFFE000  }
0x42: {  	[tilespmem:s26], [sflag:$0x5] =	stream.linear.gather [hbm4b:s12+s3], $0x2000, $0x38;
	[tilespmem:$0x1C120] =	vst v63  }
0x43: {  	_ =	swait.ge [sflag:s4], $0x2000  }
0x44: {  	[sflag:s4] =	ssyncset.done $0x0  }
0x45: {  	[sflag:s4] =	ssyncadd.s32 $0xFFFFE000  }
0x46: {  	[spmem:s1] =	stream.indirect.scatter.add.f32 [tilespmem:s31], [sflag:$0x7], $0x1, s23, s23, $0xb8;
	[tilespmem:$0x1C120] =	vst v63  }
0x47: {  	_ =	swait.ge [sflag:s29], $0x2000  }
0x48: {  	[sflag:s29] =	ssyncset.done $0x0  }
0x49: {  	[sflag:s29] =	ssyncadd.s32 $0xFFFFE000  }
0x4a: {  	_ =	swait.ge [sflag:s30], $0x2000  }
0x4b: {  	[sflag:s30] =	ssyncset.done $0x0  }
0x4c: {  	[sflag:s30] =	ssyncadd.s32 $0xFFFFE000  }
0x4d: {  	[tilespmem:s31], [sflag:$0x6] =	stream.linear.gather [hbm4b:s13+s3], $0x2000, $0x38;
	[tilespmem:$0x1C120] =	vst v63  }
0x4e: {  	_ =	swait.ge [sflag:s5], $0x2000  }
0x4f: {  	[sflag:s5] =	ssyncset.done $0x0  }
0x50: {  	[sflag:s5] =	ssyncadd.s32 $0xFFFFE000  }
0x51: {  	[spmem:s1] =	stream.indirect.scatter.add.f32 [tilespmem:s26], [sflag:$0x7], $0x1, s24, s23, $0xb8;
	[tilespmem:$0x1C120] =	vst v63  }
0x52: {  	_ =	swait.ge [sflag:s29], $0x2000  }
0x53: {  	[sflag:s29] =	ssyncset.done $0x0  }
0x54: {  	[sflag:s29] =	ssyncadd.s32 $0xFFFFE000  }
0x55: {  	_ =	swait.ge [sflag:s2], $0x2000  }
0x56: {  	[sflag:s2] =	ssyncset.done $0x0  }
0x57: {  	[sflag:s2] =	ssyncadd.s32 $0xFFFFE000  }
0x58: {  	[tilespmem:s26], [sflag:$0x5] =	stream.linear.gather [hbm4b:s14+s3], $0x2000, $0x38;
	[tilespmem:$0x1C120] =	vst v63  }
0x59: {  	_ =	swait.ge [sflag:s6], $0x2000  }
0x5a: {  	[sflag:s6] =	ssyncset.done $0x0  }
0x5b: {  	[sflag:s6] =	ssyncadd.s32 $0xFFFFE000  }
0x5c: {  	[spmem:s1] =	stream.indirect.scatter.add.f32 [tilespmem:s31], [sflag:$0x7], $0x1, s25, s23, $0xb8;
	[tilespmem:$0x1C120] =	vst v63  }
0x5d: {  	_ =	swait.ge [sflag:s29], $0x2000  }
0x5e: {  	[sflag:s29] =	ssyncset.done $0x0  }
0x5f: {  	[sflag:s29] =	ssyncadd.s32 $0xFFFFE000  }
0x60: {  	[bflag:$0x0] =	sbarrier.arrive $0xFFFF  }
0x61: {  	[tilespmem:s7], [sflag:$0x7] =	stream.linear.gather [spmem:s9], $0x4010, $0x38;
	[tilespmem:$0x1C120] =	vst v63  }
0x62: {  	_ =	swait.ge [sflag:s29], $0x4010  }
0x63: {  	[sflag:s29] =	ssyncset.done $0x0  }
0x64: {  	[sflag:s29] =	ssyncadd.s32 $0xFFFFBFF0  }
0x65: {  	[hbm4b:s15+s3] =	stream.linear.scatter [tilespmem:s7], [sflag:$0x7], $0x4010, $0x38;
	[tilespmem:$0x1C120] =	vst v63  }
0x66: {  	_ =	swait.ge [sflag:s29], $0x4010  }
0x67: {  	[sflag:s29] =	ssyncset.done $0x0  }
0x68: {  	[sflag:s29] =	ssyncadd.s32 $0xFFFFBFF0  }
0x69: {  	[tilespmem:s7], [sflag:$0x7] =	stream.linear.gather [spmem:s10], $0x4010, $0x38;
	[tilespmem:$0x1C120] =	vst v63  }
0x6a: {  	_ =	swait.ge [sflag:s29], $0x4010  }
0x6b: {  	[sflag:s29] =	ssyncset.done $0x0  }
0x6c: {  	[sflag:s29] =	ssyncadd.s32 $0xFFFFBFF0  }
0x6d: {  	[hbm4b:s16+s3] =	stream.linear.scatter [tilespmem:s7], [sflag:$0x7], $0x4010, $0x38;
	[tilespmem:$0x1C120] =	vst v63  }
0x6e: {  	_ =	swait.ge [sflag:s29], $0x4010  }
0x6f: {  	[sflag:s29] =	ssyncset.done $0x0  }
0x70: {  	[sflag:s29] =	ssyncadd.s32 $0xFFFFBFF0  }
0x71: {  	[spmem:s9] =	stream.linear.scatter [tilespmem:s28], [sflag:$0x7], $0x4010, $0x38;
	[tilespmem:$0x1C120] =	vst v63  }
0x72: {  	_ =	swait.ge [sflag:s29], $0x4010  }
0x73: {  	[sflag:s29] =	ssyncset.done $0x0  }
0x74: {  	[sflag:s29] =	ssyncadd.s32 $0xFFFFBFF0  }
0x75: {  	[spmem:s10] =	stream.linear.scatter [tilespmem:s28], [sflag:$0x7], $0x4010, $0x38;
	[tilespmem:$0x1C120] =	vst v63  }
0x76: {  	_ =	swait.ge [sflag:s29], $0x4010  }
0x77: {  	[sflag:s29] =	ssyncset.done $0x0  }
0x78: {  	[sflag:s29] =	ssyncadd.s32 $0xFFFFBFF0  }
0x79: {  	[bflag:$0x0] =	sbarrier.arrive $0xFFFF  }
0x7a: {  	_ =	swait.ge [sflag:s30], $0x2000  }
0x7b: {  	[sflag:s30] =	ssyncset.done $0x0  }
0x7c: {  	[sflag:s30] =	ssyncadd.s32 $0xFFFFE000  }
0x7d: {  	[tilespmem:s31], [sflag:$0x6] =	stream.linear.gather [hbm4b:s17+s3], $0x2000, $0x38;
	[tilespmem:$0x1C120] =	vst v63  }
0x7e: {  	_ = 	snop  }
0x7f: {  	[spmem:s1] =	stream.indirect.scatter.add.f32 [tilespmem:s26], [sflag:$0x7], $0x1, s3, s23, $0xb8;
	[tilespmem:$0x1C120] =	vst v63  }
0x80: {  	_ =	swait.ge [sflag:s29], $0x2000  }
0x81: {  	[sflag:s29] =	ssyncset.done $0x0  }
0x82: {  	[sflag:s29] =	ssyncadd.s32 $0xFFFFE000  }
0x83: {  	_ =	swait.ge [sflag:s2], $0x2000  }
0x84: {  	[sflag:s2] =	ssyncset.done $0x0  }
0x85: {  	[sflag:s2] =	ssyncadd.s32 $0xFFFFE000  }
0x86: {  	[tilespmem:s26], [sflag:$0x5] =	stream.linear.gather [hbm4b:s18+s3], $0x2000, $0x38;
	[tilespmem:$0x1C120] =	vst v63  }
0x87: {  	_ = 	snop  }
0x88: {  	[spmem:s1] =	stream.indirect.scatter.add.f32 [tilespmem:s31], [sflag:$0x7], $0x1, s23, s23, $0xb8;
	[tilespmem:$0x1C120] =	vst v63  }
0x89: {  	_ =	swait.ge [sflag:s29], $0x2000  }
0x8a: {  	[sflag:s29] =	ssyncset.done $0x0  }
0x8b: {  	[sflag:s29] =	ssyncadd.s32 $0xFFFFE000  }
0x8c: {  	_ =	swait.ge [sflag:s30], $0x2000  }
0x8d: {  	[sflag:s30] =	ssyncset.done $0x0  }
0x8e: {  	[sflag:s30] =	ssyncadd.s32 $0xFFFFE000  }
0x8f: {  	[tilespmem:s31], [sflag:$0x6] =	stream.linear.gather [hbm4b:s19+s3], $0x2000, $0x38;
	[tilespmem:$0x1C120] =	vst v63  }
0x90: {  	_ = 	snop  }
0x91: {  	[spmem:s1] =	stream.indirect.scatter.add.f32 [tilespmem:s26], [sflag:$0x7], $0x1, s24, s23, $0xb8;
	[tilespmem:$0x1C120] =	vst v63  }
0x92: {  	_ =	swait.ge [sflag:s29], $0x2000  }
0x93: {  	[sflag:s29] =	ssyncset.done $0x0  }
0x94: {  	[sflag:s29] =	ssyncadd.s32 $0xFFFFE000  }
0x95: {  	_ =	swait.ge [sflag:s2], $0x2000  }
0x96: {  	[sflag:s2] =	ssyncset.done $0x0  }
0x97: {  	[sflag:s2] =	ssyncadd.s32 $0xFFFFE000  }
0x98: {  	[spmem:s1] =	stream.indirect.scatter.add.f32 [tilespmem:s31], [sflag:$0x7], $0x1, s25, s23, $0xb8;
	[tilespmem:$0x1C120] =	vst v63  }
0x99: {  	_ =	swait.ge [sflag:s29], $0x2000  }
0x9a: {  	[sflag:s29] =	ssyncset.done $0x0  }
0x9b: {  	[sflag:s29] =	ssyncadd.s32 $0xFFFFE000  }
0x9c: {  	[bflag:$0x0] =	sbarrier.arrive $0xFFFF  }
0x9d: {  	[tilespmem:s7], [sflag:$0x7] =	stream.linear.gather [spmem:s9], $0x4010, $0x38;
	[tilespmem:$0x1C120] =	vst v63  }
0x9e: {  	_ =	swait.ge [sflag:s29], $0x4010  }
0x9f: {  	[sflag:s29] =	ssyncset.done $0x0  }
0xa0: {  	[sflag:s29] =	ssyncadd.s32 $0xFFFFBFF0  }
0xa1: {  	[hbm4b:s20+s3] =	stream.linear.scatter [tilespmem:s7], [sflag:$0x7], $0x4010, $0x38;
	[tilespmem:$0x1C120] =	vst v63  }
0xa2: {  	_ =	swait.ge [sflag:s29], $0x4010  }
0xa3: {  	[sflag:s29] =	ssyncset.done $0x0  }
0xa4: {  	[sflag:s29] =	ssyncadd.s32 $0xFFFFBFF0  }
0xa5: {  	[tilespmem:s7], [sflag:$0x7] =	stream.linear.gather [spmem:s10], $0x4010, $0x38;
	[tilespmem:$0x1C120] =	vst v63  }
0xa6: {  	s8 =	sadd.s32 $0x1, s8;
	_ =	swait.ge [sflag:s29], $0x4010  }
0xa7: {  	p0 =	sne.s32 s8, s22;
	[sflag:s29] =	ssyncset.done $0x0  }
.Ltmp1:
0xa8: {  	[sflag:s29] =	ssyncadd.s32 $0xFFFFBFF0;
	(pc) =	sbr.rel @p0 .LBB2_1-.Ltmp1, $4  }
0xa9: {  	[hbm4b:s21+s3] =	stream.linear.scatter [tilespmem:s7], [sflag:$0x7], $0x4010, $0x38;
	[tilespmem:$0x1C120] =	vst v63  }
0xaa: {  	_ =	swait.ge [sflag:s29], $0x4010  }
0xab: {  	[sflag:s29] =	ssyncset.done $0x0  }
0xac: {  	[sflag:s29] =	ssyncadd.s32 $0xFFFFBFF0  }
0xad: {  	_ =	sfence.sel $0x180000  }
0xae: {  	[bflag:$0x0] =	sbarrier.arrive $0xFFFF  }
0xaf: {  	_ =	strace $0x90000047  }
0xb0: {  	s0 =	stileid.u32;
	[bflag:$0x2] =	sbarrier.arrive $0xFFFF  }
0xb1: {  	p0 =	sne.s32 s0, $0x0;
	s0 =	rddreg [dreg:$0x2]  }
0xb2: {  	s0 =	sadd.s32 @!p0 $0x100000, s0  }
0xb3: {  	[sflag:s0] =	ssyncadd.tile.s32 @!p0 $0x1;
	_ =	shalt  }
.Lfunc_end2:
_tile_overlayer_lowered:
.L_overlay_start_2:
0xb4: {  	(tag) =	ssettag $0x2  }
0xb5: {  	s0 =	rddreg [dreg:$0x0];
	s2 =	stileid.u32  }
0xb6: {  	s1 =	rddreg [dreg:$0x1];
	p0 =	sne.s32 s2, $0x0  }
0xb7: {  	s3 =	rddreg [dreg:$0x2];
	[bflag:$0x3] =	sbarrier.arrive $0xFFFF;
	s2 =	simm.s32 @!p0 $0x1C07  }
0xb8: {  	[timem:s3], [sflag:s2] =	dma.local @!p0 [hbm:s0], s1  }
0xb9: {  	s0 =	simm.s32 @!p0 $0x7  }
0xba: {  	_ =	swait.ge @!p0 [sflag:s0], s1  }
0xbb: {  	s1 =	ssub.s32 @!p0 $0x0, s1;
	[sflag:s0] =	ssyncset.done @!p0 $0x0  }
0xbc: {  	[sflag:s0] =	ssyncadd.s32 @!p0 s1  }
0xbd: {  	[bflag:$0x3] =	sbarrier.arrive $0xFFFF  }
0xbe: {  	_ =	shalt  }

</sc_bundles>
